<compile_context>
chip_gen: v7x
topology: tpu7x:2x2x1
jax: 0.10.2.dev20260603
libtpu: 0.0.44.dev20260713+nightly
codegen_flags: <defaults>
</compile_context>

<pallas_src>
import functools

import jax
import jax.numpy as jnp
from jax import lax
from jax.experimental import pallas as pl
from jax.experimental.pallas import tpu as pltpu
from jax.experimental.pallas import tpu_sc as plsc

N = 10000
E = 320000
D = 128

NC = 2
NS = 16
NW = NC * NS
CHUNK = 128
NCH = 80
EPW = NCH * CHUNK
EPAD = NW * EPW
NPAD = 10240
RPT = NPAD // NS
SENT = N

_mesh = plsc.VectorSubcoreMesh(core_axis_name="c", subcore_axis_name="s")


@functools.partial(
    pl.kernel,
    mesh=_mesh,
    out_type=jax.ShapeDtypeStruct((NC, NPAD), jnp.float32),
    scratch_types=[
        pltpu.VMEM((2, CHUNK), jnp.int32),
        pltpu.VMEM((CHUNK,), jnp.float32),
        pltpu.VMEM_SHARED((NPAD,), jnp.float32),
        pltpu.SemaphoreType.DMA,
    ],
)
def _deg_sc(ed_hbm, ones_hbm, zeros_hbm, degp_hbm, ed_v, ones_v, deg_sh, sem):
    cid = lax.axis_index("c")
    sid = lax.axis_index("s")
    wid = cid * NS + sid
    pltpu.sync_copy(ones_hbm, ones_v)
    pltpu.sync_copy(zeros_hbm.at[pl.ds(sid * RPT, RPT)],
                    deg_sh.at[pl.ds(sid * RPT, RPT)])
    plsc.subcore_barrier()

    def body(j, carry):
        pltpu.sync_copy(ed_hbm.at[wid * NCH + j], ed_v)
        pltpu.sync_copy(ones_v, deg_sh.at[ed_v.at[1]], add=True)
        return carry

    lax.fori_loop(0, NCH, body, 0)
    plsc.subcore_barrier()
    pltpu.sync_copy(deg_sh.at[pl.ds(sid * RPT, RPT)],
                    degp_hbm.at[cid, pl.ds(sid * RPT, RPT)])


def _lin_body(x_ref, w_ref, degp_ref, g_ref, dinv_ref):
    h = jnp.dot(x_ref[...], w_ref[...], preferred_element_type=jnp.float32)
    deg = degp_ref[0] + degp_ref[1] + 1.0
    dinv = lax.rsqrt(deg)
    dinv_ref[...] = dinv
    g_ref[...] = h * dinv


_ROWB = 1280


def _linear(x_p, W, degp):
    grid = NPAD // _ROWB
    return pl.pallas_call(
        _lin_body,
        grid=(grid,),
        in_specs=[
            pl.BlockSpec((_ROWB, D), lambda i: (i, 0)),
            pl.BlockSpec((D, D), lambda i: (0, 0)),
            pl.BlockSpec((NC, _ROWB, 1), lambda i: (0, i, 0)),
        ],
        out_specs=[
            pl.BlockSpec((_ROWB, D), lambda i: (i, 0)),
            pl.BlockSpec((_ROWB, 1), lambda i: (i, 0)),
        ],
        out_shape=[
            jax.ShapeDtypeStruct((NPAD, D), jnp.float32),
            jax.ShapeDtypeStruct((NPAD, 1), jnp.float32),
        ],
    )(x_p, W, degp)


@functools.partial(
    pl.kernel,
    mesh=_mesh,
    out_type=jax.ShapeDtypeStruct((NC, NPAD, D), jnp.float32),
    scratch_types=[
        pltpu.VMEM((2, CHUNK), jnp.int32),
        pltpu.VMEM((2, CHUNK), jnp.int32),
        pltpu.VMEM((CHUNK, D), jnp.float32),
        pltpu.VMEM((CHUNK, D), jnp.float32),
        pltpu.VMEM_SHARED((NPAD, D), jnp.float32),
        pltpu.SemaphoreType.DMA,
        pltpu.SemaphoreType.DMA,
    ],
)
def _agg_sc(ed_hbm, g_hbm, zeros_hbm, aggp_hbm,
            ed_a, ed_b, rows_a, rows_b, agg_sh, sem_a, sem_b):
    cid = lax.axis_index("c")
    sid = lax.axis_index("s")
    wid = cid * NS + sid
    base = wid * NCH
    pltpu.sync_copy(zeros_hbm.at[pl.ds(sid * RPT, RPT)],
                    agg_sh.at[pl.ds(sid * RPT, RPT)])
    plsc.subcore_barrier()

    pltpu.sync_copy(ed_hbm.at[base], ed_a)
    pltpu.async_copy(g_hbm.at[ed_a.at[0]], rows_a, sem_a)

    def body(i, carry):
        j = i * 2
        pltpu.sync_copy(ed_hbm.at[base + j + 1], ed_b)
        pltpu.async_copy(g_hbm.at[ed_b.at[0]], rows_b, sem_b)
        pltpu.make_async_copy(g_hbm.at[ed_a.at[0]], rows_a, sem_a).wait()
        pltpu.sync_copy(rows_a, agg_sh.at[ed_a.at[1]], add=True)
        pltpu.sync_copy(ed_hbm.at[base + (j + 2) % NCH], ed_a)
        pltpu.async_copy(g_hbm.at[ed_a.at[0]], rows_a, sem_a)
        pltpu.make_async_copy(g_hbm.at[ed_b.at[0]], rows_b, sem_b).wait()
        pltpu.sync_copy(rows_b, agg_sh.at[ed_b.at[1]], add=True)
        return carry

    lax.fori_loop(0, NCH // 2, body, 0)
    pltpu.make_async_copy(g_hbm.at[ed_a.at[0]], rows_a, sem_a).wait()
    plsc.subcore_barrier()
    pltpu.sync_copy(agg_sh.at[pl.ds(sid * RPT, RPT)],
                    aggp_hbm.at[cid, pl.ds(sid * RPT, RPT)])


def _out_body(aggp_ref, g_ref, dinv_ref, b_ref, o_ref):
    s = aggp_ref[0] + aggp_ref[1] + g_ref[...]
    o_ref[...] = jnp.maximum(s * dinv_ref[...] + b_ref[...], 0.0)


def _epilogue(aggp, g, dinv, b2):
    grid = NPAD // _ROWB
    return pl.pallas_call(
        _out_body,
        grid=(grid,),
        in_specs=[
            pl.BlockSpec((NC, _ROWB, D), lambda i: (0, i, 0)),
            pl.BlockSpec((_ROWB, D), lambda i: (i, 0)),
            pl.BlockSpec((_ROWB, 1), lambda i: (i, 0)),
            pl.BlockSpec((1, D), lambda i: (0, 0)),
        ],
        out_specs=pl.BlockSpec((_ROWB, D), lambda i: (i, 0)),
        out_shape=jax.ShapeDtypeStruct((NPAD, D), jnp.float32),
    )(aggp, g, dinv, b2)


def kernel(x, edge_index, W, b):
    pad = EPAD - E
    src_p = jnp.concatenate(
        [edge_index[0], jnp.full((pad,), SENT, jnp.int32)]).reshape(NW * NCH, 1, CHUNK)
    dst_p = jnp.concatenate(
        [edge_index[1], jnp.full((pad,), SENT, jnp.int32)]).reshape(NW * NCH, 1, CHUNK)
    ed_p = jnp.concatenate([src_p, dst_p], axis=1)
    x_p = jnp.zeros((NPAD, D), jnp.float32).at[:N].set(x)

    ones = jnp.ones((CHUNK,), jnp.float32)
    zeros_n = jnp.zeros((NPAD,), jnp.float32)
    zeros_nd = jnp.zeros((NPAD, D), jnp.float32)

    degp = _deg_sc(ed_p, ones, zeros_n)
    g, dinv = _linear(x_p, W, degp.reshape(NC, NPAD, 1))
    aggp = _agg_sc(ed_p, g, zeros_nd)
    out = _epilogue(aggp, g, dinv, b.reshape(1, D))
    return out[:N]

# --- scband reference (transcript-rebuilt; emitter-appended) ---
"""Pipeline reference for scband-gcnlayer-12317966205308 (READ-ONLY COPY).

The authoritative reference and input builder live on the scoring server;
editing this copy changes nothing except your own understanding.
"""

import jax, jax.numpy as jnp
import numpy as np

N = 10000
E = 320000
D_IN = 128
D_OUT = 128


def setup_inputs(seed: int = 0) -> dict:
    key = jax.random.key(seed)
    k1, k2, k3 = jax.random.split(key, 3)
    x = jax.random.normal(k1, (N, D_IN), dtype=jnp.float32)
    edge_index = jax.random.randint(k2, (2, E), 0, N, dtype=jnp.int32)
    # GCNConv parameters: glorot-initialized weight, zero bias
    limit = float(np.sqrt(6.0 / (D_IN + D_OUT)))
    W = jax.random.uniform(k3, (D_IN, D_OUT), minval=-limit, maxval=limit, dtype=jnp.float32)
    b = jnp.zeros((D_OUT,), dtype=jnp.float32)
    return {"x": x, "edge_index": edge_index, "W": W, "b": b}


def reference(x, edge_index, W, b):
    # GCNConv (PyG semantics): add self-loops, symmetric normalization,
    # linear transform, scatter-add aggregation, bias, then ReLU.
    src = edge_index[0]
    dst = edge_index[1]
    loop = jnp.arange(N, dtype=edge_index.dtype)
    src = jnp.concatenate([src, loop])
    dst = jnp.concatenate([dst, loop])

    h = x @ W  # [N, D_OUT]

    deg = jnp.zeros((N,), dtype=x.dtype).at[dst].add(1.0)
    deg_inv_sqrt = jnp.where(deg > 0, jax.lax.rsqrt(jnp.maximum(deg, 1e-12)), 0.0)
    norm = deg_inv_sqrt[src] * deg_inv_sqrt[dst]  # [E+N]

    msg = h[src] * norm[:, None]  # gather + scale
    out = jnp.zeros((N, D_OUT), dtype=x.dtype).at[dst].add(msg)  # scatter-add
    out = out + b
    return jax.nn.relu(out)

if __name__ == "__main__":
    import jax
    _d = setup_inputs()
    print(jax.jit(kernel)(*tuple(_d.values())))

</pallas_src>

<mosaic_0001>
#map = affine_map<(d0, d1) -> (0, 0, 0)>
#map1 = affine_map<(d0, d1) -> (0)>
#map2 = affine_map<(d0, d1) -> (0, 0)>
module attributes {stable_mosaic.version = 14 : i64} {
  func.func @_deg_sc(%arg0: i32, %arg1: i32, %arg2: memref<2560x2x128xi32, #tpu.memory_space<hbm>>, %arg3: memref<128xf32, #tpu.memory_space<hbm>>, %arg4: memref<10240xf32, #tpu.memory_space<hbm>>, %arg5: memref<2x10240xf32, #tpu.memory_space<hbm>>, %arg6: memref<2x128xi32, #tpu.memory_space<vmem>>, %arg7: memref<128xf32, #tpu.memory_space<vmem>>, %arg8: memref<10240xf32, #tpu.memory_space<vmem_shared>>, %arg9: memref<!tpu.dma_semaphore, #tpu.memory_space<semaphore_mem>>) attributes {dimension_semantics = [#tpu.dimension_semantics<core_parallel>, #tpu.dimension_semantics<subcore_parallel>], iteration_bounds = array<i64: 2, 16>, scalar_prefetch = 0 : i64, scratch_operands = 4 : i64, tpu.core_type = #tpu.core_type<sc_vector_subcore>, window_params = [{transform_indices = #map}, {transform_indices = #map1}, {transform_indices = #map1}, {transform_indices = #map2}]} {
    %mul3A = arith.constant 16 : i32
    %mul3A_0 = arith.muli %arg0, %mul3A : i32
    %add3A = arith.addi %mul3A_0, %arg1 : i32
    "tpu.region"() ({
      %run_scoped3A = tpu.sem_alloc : memref<!tpu.dma_semaphore, #tpu.memory_space<semaphore_mem>>
      tpu.enqueue_dma source(%arg3 : memref<128xf32, #tpu.memory_space<hbm>>) target(%arg7 : memref<128xf32, #tpu.memory_space<vmem>>) target_semaphore(%run_scoped3A : memref<!tpu.dma_semaphore, #tpu.memory_space<semaphore_mem>>)
      tpu.wait_dma2 semaphore(%run_scoped3A : memref<!tpu.dma_semaphore, #tpu.memory_space<semaphore_mem>>) src(%arg3 : memref<128xf32, #tpu.memory_space<hbm>>) dst(%arg7 : memref<128xf32, #tpu.memory_space<vmem>>)
      tpu.yield
    }) : () -> ()
    %mul3A_1 = arith.constant 640 : i32
    %mul3A_2 = arith.muli %arg1, %mul3A_1 : i32
    %mul3A_3 = arith.constant 640 : i32
    %mul3A_4 = arith.muli %arg1, %mul3A_3 : i32
    "tpu.region"() ({
      %run_scoped3A = tpu.sem_alloc : memref<!tpu.dma_semaphore, #tpu.memory_space<semaphore_mem>>
      %dma_start3A = tpu.memref_slice %arg8[%mul3A_4] : memref<10240xf32, #tpu.memory_space<vmem_shared>> -> memref<640xf32, #tpu.memory_space<vmem_shared>>
      %dma_start3A_15 = tpu.memref_slice %arg4[%mul3A_2] : memref<10240xf32, #tpu.memory_space<hbm>> -> memref<640xf32, #tpu.memory_space<hbm>>
      tpu.enqueue_dma source(%dma_start3A_15 : memref<640xf32, #tpu.memory_space<hbm>>) target(%dma_start3A : memref<640xf32, #tpu.memory_space<vmem_shared>>) target_semaphore(%run_scoped3A : memref<!tpu.dma_semaphore, #tpu.memory_space<semaphore_mem>>)
      %dma_wait3A = tpu.memref_slice %arg8[%mul3A_4] : memref<10240xf32, #tpu.memory_space<vmem_shared>> -> memref<640xf32, #tpu.memory_space<vmem_shared>>
      %dma_wait3A_16 = tpu.memref_slice %arg4[%mul3A_2] : memref<10240xf32, #tpu.memory_space<hbm>> -> memref<640xf32, #tpu.memory_space<hbm>>
      tpu.wait_dma2 semaphore(%run_scoped3A : memref<!tpu.dma_semaphore, #tpu.memory_space<semaphore_mem>>) src(%dma_wait3A_16 : memref<640xf32, #tpu.memory_space<hbm>>) dst(%dma_wait3A : memref<640xf32, #tpu.memory_space<vmem_shared>>)
      tpu.yield
    }) : () -> ()
    %barrier3A = arith.constant 0 : index
    tpu.barrier barrier_id(%barrier3A)
    %scan3A = arith.constant 0 : i32
    %scan3A_5 = arith.constant 0 : i32
    %scan3A_6 = arith.constant 80 : i32
    %scan3A_7 = arith.addi %scan3A_5, %scan3A_6 : i32
    %scan3A_8 = arith.constant 1 : i32
    scf.for %scan3A_15 = %scan3A_5 to %scan3A_7 step %scan3A_8  : i32 {
      %mul3A_16 = arith.constant 80 : i32
      %mul3A_17 = arith.muli %add3A, %mul3A_16 : i32
      %add3A_18 = arith.addi %mul3A_17, %scan3A_15 : i32
      "tpu.region"() ({
        %run_scoped3A_19 = tpu.sem_alloc : memref<!tpu.dma_semaphore, #tpu.memory_space<semaphore_mem>>
        %dma_start3A = arith.constant 0 : i32
        %dma_start3A_20 = arith.constant 0 : i32
        %dma_start3A_21 = tpu.memref_slice %arg2[%add3A_18, %dma_start3A, %dma_start3A_20] : memref<2560x2x128xi32, #tpu.memory_space<hbm>> -> memref<1x2x128xi32, #tpu.memory_space<hbm>>
        %dma_start3A_22 = tpu.memref_squeeze %dma_start3A_21 : memref<1x2x128xi32, #tpu.memory_space<hbm>> -> memref<2x128xi32, #tpu.memory_space<hbm>>
        %dma_start3A_23 = arith.constant 0 : i32
        %dma_start3A_24 = arith.constant 0 : i32
        %dma_start3A_25 = tpu.memref_slice %arg2[%add3A_18, %dma_start3A_23, %dma_start3A_24] : memref<2560x2x128xi32, #tpu.memory_space<hbm>> -> memref<1x2x128xi32, #tpu.memory_space<hbm>>
        %dma_start3A_26 = tpu.memref_squeeze %dma_start3A_25 : memref<1x2x128xi32, #tpu.memory_space<hbm>> -> memref<2x128xi32, #tpu.memory_space<hbm>>
        tpu.enqueue_dma source(%dma_start3A_26 : memref<2x128xi32, #tpu.memory_space<hbm>>) target(%arg6 : memref<2x128xi32, #tpu.memory_space<vmem>>) target_semaphore(%run_scoped3A_19 : memref<!tpu.dma_semaphore, #tpu.memory_space<semaphore_mem>>)
        %dma_wait3A = arith.constant 0 : i32
        %dma_wait3A_27 = arith.constant 0 : i32
        %dma_wait3A_28 = tpu.memref_slice %arg2[%add3A_18, %dma_wait3A, %dma_wait3A_27] : memref<2560x2x128xi32, #tpu.memory_space<hbm>> -> memref<1x2x128xi32, #tpu.memory_space<hbm>>
        %dma_wait3A_29 = tpu.memref_squeeze %dma_wait3A_28 : memref<1x2x128xi32, #tpu.memory_space<hbm>> -> memref<2x128xi32, #tpu.memory_space<hbm>>
        %dma_wait3A_30 = arith.constant 0 : i32
        %dma_wait3A_31 = arith.constant 0 : i32
        %dma_wait3A_32 = tpu.memref_slice %arg2[%add3A_18, %dma_wait3A_30, %dma_wait3A_31] : memref<2560x2x128xi32, #tpu.memory_space<hbm>> -> memref<1x2x128xi32, #tpu.memory_space<hbm>>
        %dma_wait3A_33 = tpu.memref_squeeze %dma_wait3A_32 : memref<1x2x128xi32, #tpu.memory_space<hbm>> -> memref<2x128xi32, #tpu.memory_space<hbm>>
        tpu.wait_dma2 semaphore(%run_scoped3A_19 : memref<!tpu.dma_semaphore, #tpu.memory_space<semaphore_mem>>) src(%dma_wait3A_33 : memref<2x128xi32, #tpu.memory_space<hbm>>) dst(%arg6 : memref<2x128xi32, #tpu.memory_space<vmem>>)
        tpu.yield
      }) : () -> ()
      %run_scoped3A = arith.constant 1 : i32
      "tpu.region"() ({
        %run_scoped3A_19 = tpu.sem_alloc : memref<!tpu.dma_semaphore, #tpu.memory_space<semaphore_mem>>
        %dma_start3A = arith.constant 0 : i32
        %dma_start3A_20 = tpu.memref_slice %arg6[%run_scoped3A, %dma_start3A] : memref<2x128xi32, #tpu.memory_space<vmem>> -> memref<1x128xi32, #tpu.memory_space<vmem>>
        %dma_start3A_21 = tpu.memref_squeeze %dma_start3A_20 : memref<1x128xi32, #tpu.memory_space<vmem>> -> memref<128xi32, #tpu.memory_space<vmem>>
        %dma_start3A_22 = arith.constant 0 : i32
        %dma_start3A_23 = tpu.memref_slice %arg8[%dma_start3A_22] : memref<10240xf32, #tpu.memory_space<vmem_shared>> -> memref<10240xf32, #tpu.memory_space<vmem_shared>>
        tpu.enqueue_indirect_dma source(%arg7 : memref<128xf32, #tpu.memory_space<vmem>>) target(%dma_start3A_23 : memref<10240xf32, #tpu.memory_space<vmem_shared>>) offsets(%dma_start3A_21 : memref<128xi32, #tpu.memory_space<vmem>>) semaphore(%run_scoped3A_19 : memref<!tpu.dma_semaphore, #tpu.memory_space<semaphore_mem>>) {add = true}
        %dma_wait3A = arith.constant 0 : i32
        %dma_wait3A_24 = tpu.memref_slice %arg6[%run_scoped3A, %dma_wait3A] : memref<2x128xi32, #tpu.memory_space<vmem>> -> memref<1x128xi32, #tpu.memory_space<vmem>>
        %dma_wait3A_25 = tpu.memref_squeeze %dma_wait3A_24 : memref<1x128xi32, #tpu.memory_space<vmem>> -> memref<128xi32, #tpu.memory_space<vmem>>
        %dma_wait3A_26 = arith.constant 0 : i32
        %dma_wait3A_27 = tpu.memref_slice %arg8[%dma_wait3A_26] : memref<10240xf32, #tpu.memory_space<vmem_shared>> -> memref<10240xf32, #tpu.memory_space<vmem_shared>>
        tpu.wait_indirect_dma semaphore(%run_scoped3A_19 : memref<!tpu.dma_semaphore, #tpu.memory_space<semaphore_mem>>) src(%arg7 : memref<128xf32, #tpu.memory_space<vmem>>) dst(%dma_wait3A_27 : memref<10240xf32, #tpu.memory_space<vmem_shared>>)
        tpu.yield
      }) : () -> ()
    }
    %scan3A_9 = arith.constant 80 : i32
    %barrier3A_10 = arith.constant 0 : index
    tpu.barrier barrier_id(%barrier3A_10)
    %mul3A_11 = arith.constant 640 : i32
    %mul3A_12 = arith.muli %arg1, %mul3A_11 : i32
    %mul3A_13 = arith.constant 640 : i32
    %mul3A_14 = arith.muli %arg1, %mul3A_13 : i32
    "tpu.region"() ({
      %run_scoped3A = tpu.sem_alloc : memref<!tpu.dma_semaphore, #tpu.memory_space<semaphore_mem>>
      %dma_start3A = tpu.memref_slice %arg5[%arg0, %mul3A_14] : memref<2x10240xf32, #tpu.memory_space<hbm>> -> memref<1x640xf32, #tpu.memory_space<hbm>>
      %dma_start3A_15 = tpu.memref_squeeze %dma_start3A : memref<1x640xf32, #tpu.memory_space<hbm>> -> memref<640xf32, #tpu.memory_space<hbm>>
      %dma_start3A_16 = tpu.memref_slice %arg8[%mul3A_12] : memref<10240xf32, #tpu.memory_space<vmem_shared>> -> memref<640xf32, #tpu.memory_space<vmem_shared>>
      tpu.enqueue_dma source(%dma_start3A_16 : memref<640xf32, #tpu.memory_space<vmem_shared>>) target(%dma_start3A_15 : memref<640xf32, #tpu.memory_space<hbm>>) target_semaphore(%run_scoped3A : memref<!tpu.dma_semaphore, #tpu.memory_space<semaphore_mem>>)
      %dma_wait3A = tpu.memref_slice %arg5[%arg0, %mul3A_14] : memref<2x10240xf32, #tpu.memory_space<hbm>> -> memref<1x640xf32, #tpu.memory_space<hbm>>
      %dma_wait3A_17 = tpu.memref_squeeze %dma_wait3A : memref<1x640xf32, #tpu.memory_space<hbm>> -> memref<640xf32, #tpu.memory_space<hbm>>
      %dma_wait3A_18 = tpu.memref_slice %arg8[%mul3A_12] : memref<10240xf32, #tpu.memory_space<vmem_shared>> -> memref<640xf32, #tpu.memory_space<vmem_shared>>
      tpu.wait_dma2 semaphore(%run_scoped3A : memref<!tpu.dma_semaphore, #tpu.memory_space<semaphore_mem>>) src(%dma_wait3A_18 : memref<640xf32, #tpu.memory_space<vmem_shared>>) dst(%dma_wait3A_17 : memref<640xf32, #tpu.memory_space<hbm>>)
      tpu.yield
    }) : () -> ()
    return
  }
}

#map = affine_map<(d0, d1) -> (0, 0, 0)>
#map1 = affine_map<(d0, d1) -> (0, 0)>
module attributes {stable_mosaic.version = 14 : i64} {
  func.func @_agg_sc(%arg0: i32, %arg1: i32, %arg2: memref<2560x2x128xi32, #tpu.memory_space<hbm>>, %arg3: memref<10240x128xf32, #tpu.memory_space<hbm>>, %arg4: memref<10240x128xf32, #tpu.memory_space<hbm>>, %arg5: memref<2x10240x128xf32, #tpu.memory_space<hbm>>, %arg6: memref<2x128xi32, #tpu.memory_space<vmem>>, %arg7: memref<2x128xi32, #tpu.memory_space<vmem>>, %arg8: memref<128x128xf32, #tpu.memory_space<vmem>>, %arg9: memref<128x128xf32, #tpu.memory_space<vmem>>, %arg10: memref<10240x128xf32, #tpu.memory_space<vmem_shared>>, %arg11: memref<!tpu.dma_semaphore, #tpu.memory_space<semaphore_mem>>, %arg12: memref<!tpu.dma_semaphore, #tpu.memory_space<semaphore_mem>>) attributes {dimension_semantics = [#tpu.dimension_semantics<core_parallel>, #tpu.dimension_semantics<subcore_parallel>], iteration_bounds = array<i64: 2, 16>, scalar_prefetch = 0 : i64, scratch_operands = 7 : i64, tpu.core_type = #tpu.core_type<sc_vector_subcore>, window_params = [{transform_indices = #map}, {transform_indices = #map1}, {transform_indices = #map1}, {transform_indices = #map}]} {
    %mul3A = arith.constant 16 : i32
    %mul3A_0 = arith.muli %arg0, %mul3A : i32
    %add3A = arith.addi %mul3A_0, %arg1 : i32
    %mul3A_1 = arith.constant 80 : i32
    %mul3A_2 = arith.muli %add3A, %mul3A_1 : i32
    %mul3A_3 = arith.constant 640 : i32
    %mul3A_4 = arith.muli %arg1, %mul3A_3 : i32
    %mul3A_5 = arith.constant 640 : i32
    %mul3A_6 = arith.muli %arg1, %mul3A_5 : i32
    "tpu.region"() ({
      %run_scoped3A = tpu.sem_alloc : memref<!tpu.dma_semaphore, #tpu.memory_space<semaphore_mem>>
      %dma_start3A_29 = arith.constant 0 : i32
      %dma_start3A_30 = tpu.memref_slice %arg10[%mul3A_6, %dma_start3A_29] : memref<10240x128xf32, #tpu.memory_space<vmem_shared>> -> memref<640x128xf32, #tpu.memory_space<vmem_shared>>
      %dma_start3A_31 = arith.constant 0 : i32
      %dma_start3A_32 = tpu.memref_slice %arg4[%mul3A_4, %dma_start3A_31] : memref<10240x128xf32, #tpu.memory_space<hbm>> -> memref<640x128xf32, #tpu.memory_space<hbm>>
      tpu.enqueue_dma source(%dma_start3A_32 : memref<640x128xf32, #tpu.memory_space<hbm>>) target(%dma_start3A_30 : memref<640x128xf32, #tpu.memory_space<vmem_shared>>) target_semaphore(%run_scoped3A : memref<!tpu.dma_semaphore, #tpu.memory_space<semaphore_mem>>)
      %dma_wait3A_33 = arith.constant 0 : i32
      %dma_wait3A_34 = tpu.memref_slice %arg10[%mul3A_6, %dma_wait3A_33] : memref<10240x128xf32, #tpu.memory_space<vmem_shared>> -> memref<640x128xf32, #tpu.memory_space<vmem_shared>>
      %dma_wait3A_35 = arith.constant 0 : i32
      %dma_wait3A_36 = tpu.memref_slice %arg4[%mul3A_4, %dma_wait3A_35] : memref<10240x128xf32, #tpu.memory_space<hbm>> -> memref<640x128xf32, #tpu.memory_space<hbm>>
      tpu.wait_dma2 semaphore(%run_scoped3A : memref<!tpu.dma_semaphore, #tpu.memory_space<semaphore_mem>>) src(%dma_wait3A_36 : memref<640x128xf32, #tpu.memory_space<hbm>>) dst(%dma_wait3A_34 : memref<640x128xf32, #tpu.memory_space<vmem_shared>>)
      tpu.yield
    }) : () -> ()
    %barrier3A = arith.constant 0 : index
    tpu.barrier barrier_id(%barrier3A)
    "tpu.region"() ({
      %run_scoped3A = tpu.sem_alloc : memref<!tpu.dma_semaphore, #tpu.memory_space<semaphore_mem>>
      %dma_start3A_29 = arith.constant 0 : i32
      %dma_start3A_30 = arith.constant 0 : i32
      %dma_start3A_31 = tpu.memref_slice %arg2[%mul3A_2, %dma_start3A_29, %dma_start3A_30] : memref<2560x2x128xi32, #tpu.memory_space<hbm>> -> memref<1x2x128xi32, #tpu.memory_space<hbm>>
      %dma_start3A_32 = tpu.memref_squeeze %dma_start3A_31 : memref<1x2x128xi32, #tpu.memory_space<hbm>> -> memref<2x128xi32, #tpu.memory_space<hbm>>
      %dma_start3A_33 = arith.constant 0 : i32
      %dma_start3A_34 = arith.constant 0 : i32
      %dma_start3A_35 = tpu.memref_slice %arg2[%mul3A_2, %dma_start3A_33, %dma_start3A_34] : memref<2560x2x128xi32, #tpu.memory_space<hbm>> -> memref<1x2x128xi32, #tpu.memory_space<hbm>>
      %dma_start3A_36 = tpu.memref_squeeze %dma_start3A_35 : memref<1x2x128xi32, #tpu.memory_space<hbm>> -> memref<2x128xi32, #tpu.memory_space<hbm>>
      tpu.enqueue_dma source(%dma_start3A_36 : memref<2x128xi32, #tpu.memory_space<hbm>>) target(%arg6 : memref<2x128xi32, #tpu.memory_space<vmem>>) target_semaphore(%run_scoped3A : memref<!tpu.dma_semaphore, #tpu.memory_space<semaphore_mem>>)
      %dma_wait3A_37 = arith.constant 0 : i32
      %dma_wait3A_38 = arith.constant 0 : i32
      %dma_wait3A_39 = tpu.memref_slice %arg2[%mul3A_2, %dma_wait3A_37, %dma_wait3A_38] : memref<2560x2x128xi32, #tpu.memory_space<hbm>> -> memref<1x2x128xi32, #tpu.memory_space<hbm>>
      %dma_wait3A_40 = tpu.memref_squeeze %dma_wait3A_39 : memref<1x2x128xi32, #tpu.memory_space<hbm>> -> memref<2x128xi32, #tpu.memory_space<hbm>>
      %dma_wait3A_41 = arith.constant 0 : i32
      %dma_wait3A_42 = arith.constant 0 : i32
      %dma_wait3A_43 = tpu.memref_slice %arg2[%mul3A_2, %dma_wait3A_41, %dma_wait3A_42] : memref<2560x2x128xi32, #tpu.memory_space<hbm>> -> memref<1x2x128xi32, #tpu.memory_space<hbm>>
      %dma_wait3A_44 = tpu.memref_squeeze %dma_wait3A_43 : memref<1x2x128xi32, #tpu.memory_space<hbm>> -> memref<2x128xi32, #tpu.memory_space<hbm>>
      tpu.wait_dma2 semaphore(%run_scoped3A : memref<!tpu.dma_semaphore, #tpu.memory_space<semaphore_mem>>) src(%dma_wait3A_44 : memref<2x128xi32, #tpu.memory_space<hbm>>) dst(%arg6 : memref<2x128xi32, #tpu.memory_space<vmem>>)
      tpu.yield
    }) : () -> ()
    %dma_start3A = arith.constant 0 : i32
    %dma_start3A_7 = arith.constant 0 : i32
    %dma_start3A_8 = tpu.memref_slice %arg6[%dma_start3A, %dma_start3A_7] : memref<2x128xi32, #tpu.memory_space<vmem>> -> memref<1x128xi32, #tpu.memory_space<vmem>>
    %dma_start3A_9 = tpu.memref_squeeze %dma_start3A_8 : memref<1x128xi32, #tpu.memory_space<vmem>> -> memref<128xi32, #tpu.memory_space<vmem>>
    %dma_start3A_10 = arith.constant 0 : i32
    %dma_start3A_11 = arith.constant 0 : i32
    %dma_start3A_12 = tpu.memref_slice %arg3[%dma_start3A_10, %dma_start3A_11] : memref<10240x128xf32, #tpu.memory_space<hbm>> -> memref<10240x128xf32, #tpu.memory_space<hbm>>
    tpu.enqueue_indirect_dma source(%dma_start3A_12 : memref<10240x128xf32, #tpu.memory_space<hbm>>) target(%arg8 : memref<128x128xf32, #tpu.memory_space<vmem>>) offsets(%dma_start3A_9 : memref<128xi32, #tpu.memory_space<vmem>>) semaphore(%arg11 : memref<!tpu.dma_semaphore, #tpu.memory_space<semaphore_mem>>)
    %scan3A = arith.constant 0 : i32
    %scan3A_13 = arith.constant 0 : i32
    %scan3A_14 = arith.constant 40 : i32
    %scan3A_15 = arith.addi %scan3A_13, %scan3A_14 : i32
    %scan3A_16 = arith.constant 1 : i32
    scf.for %scan3A_29 = %scan3A_13 to %scan3A_15 step %scan3A_16  : i32 {
      %mul3A_30 = arith.constant 2 : i32
      %mul3A_31 = arith.muli %scan3A_29, %mul3A_30 : i32
      %add3A_32 = arith.addi %mul3A_2, %mul3A_31 : i32
      %add3A_33 = arith.constant 1 : i32
      %add3A_34 = arith.addi %add3A_32, %add3A_33 : i32
      "tpu.region"() ({
        %run_scoped3A_76 = tpu.sem_alloc : memref<!tpu.dma_semaphore, #tpu.memory_space<semaphore_mem>>
        %dma_start3A_77 = arith.constant 0 : i32
        %dma_start3A_78 = arith.constant 0 : i32
        %dma_start3A_79 = tpu.memref_slice %arg2[%add3A_34, %dma_start3A_77, %dma_start3A_78] : memref<2560x2x128xi32, #tpu.memory_space<hbm>> -> memref<1x2x128xi32, #tpu.memory_space<hbm>>
        %dma_start3A_80 = tpu.memref_squeeze %dma_start3A_79 : memref<1x2x128xi32, #tpu.memory_space<hbm>> -> memref<2x128xi32, #tpu.memory_space<hbm>>
        %dma_start3A_81 = arith.constant 0 : i32
        %dma_start3A_82 = arith.constant 0 : i32
        %dma_start3A_83 = tpu.memref_slice %arg2[%add3A_34, %dma_start3A_81, %dma_start3A_82] : memref<2560x2x128xi32, #tpu.memory_space<hbm>> -> memref<1x2x128xi32, #tpu.memory_space<hbm>>
        %dma_start3A_84 = tpu.memref_squeeze %dma_start3A_83 : memref<1x2x128xi32, #tpu.memory_space<hbm>> -> memref<2x128xi32, #tpu.memory_space<hbm>>
        tpu.enqueue_dma source(%dma_start3A_84 : memref<2x128xi32, #tpu.memory_space<hbm>>) target(%arg7 : memref<2x128xi32, #tpu.memory_space<vmem>>) target_semaphore(%run_scoped3A_76 : memref<!tpu.dma_semaphore, #tpu.memory_space<semaphore_mem>>)
        %dma_wait3A_85 = arith.constant 0 : i32
        %dma_wait3A_86 = arith.constant 0 : i32
        %dma_wait3A_87 = tpu.memref_slice %arg2[%add3A_34, %dma_wait3A_85, %dma_wait3A_86] : memref<2560x2x128xi32, #tpu.memory_space<hbm>> -> memref<1x2x128xi32, #tpu.memory_space<hbm>>
        %dma_wait3A_88 = tpu.memref_squeeze %dma_wait3A_87 : memref<1x2x128xi32, #tpu.memory_space<hbm>> -> memref<2x128xi32, #tpu.memory_space<hbm>>
        %dma_wait3A_89 = arith.constant 0 : i32
        %dma_wait3A_90 = arith.constant 0 : i32
        %dma_wait3A_91 = tpu.memref_slice %arg2[%add3A_34, %dma_wait3A_89, %dma_wait3A_90] : memref<2560x2x128xi32, #tpu.memory_space<hbm>> -> memref<1x2x128xi32, #tpu.memory_space<hbm>>
        %dma_wait3A_92 = tpu.memref_squeeze %dma_wait3A_91 : memref<1x2x128xi32, #tpu.memory_space<hbm>> -> memref<2x128xi32, #tpu.memory_space<hbm>>
        tpu.wait_dma2 semaphore(%run_scoped3A_76 : memref<!tpu.dma_semaphore, #tpu.memory_space<semaphore_mem>>) src(%dma_wait3A_92 : memref<2x128xi32, #tpu.memory_space<hbm>>) dst(%arg7 : memref<2x128xi32, #tpu.memory_space<vmem>>)
        tpu.yield
      }) : () -> ()
      %dma_start3A_35 = arith.constant 0 : i32
      %dma_start3A_36 = arith.constant 0 : i32
      %dma_start3A_37 = tpu.memref_slice %arg7[%dma_start3A_35, %dma_start3A_36] : memref<2x128xi32, #tpu.memory_space<vmem>> -> memref<1x128xi32, #tpu.memory_space<vmem>>
      %dma_start3A_38 = tpu.memref_squeeze %dma_start3A_37 : memref<1x128xi32, #tpu.memory_space<vmem>> -> memref<128xi32, #tpu.memory_space<vmem>>
      %dma_start3A_39 = arith.constant 0 : i32
      %dma_start3A_40 = arith.constant 0 : i32
      %dma_start3A_41 = tpu.memref_slice %arg3[%dma_start3A_39, %dma_start3A_40] : memref<10240x128xf32, #tpu.memory_space<hbm>> -> memref<10240x128xf32, #tpu.memory_space<hbm>>
      tpu.enqueue_indirect_dma source(%dma_start3A_41 : memref<10240x128xf32, #tpu.memory_space<hbm>>) target(%arg9 : memref<128x128xf32, #tpu.memory_space<vmem>>) offsets(%dma_start3A_38 : memref<128xi32, #tpu.memory_space<vmem>>) semaphore(%arg12 : memref<!tpu.dma_semaphore, #tpu.memory_space<semaphore_mem>>)
      %dma_wait3A_42 = arith.constant 0 : i32
      %dma_wait3A_43 = arith.constant 0 : i32
      %dma_wait3A_44 = tpu.memref_slice %arg6[%dma_wait3A_42, %dma_wait3A_43] : memref<2x128xi32, #tpu.memory_space<vmem>> -> memref<1x128xi32, #tpu.memory_space<vmem>>
      %dma_wait3A_45 = tpu.memref_squeeze %dma_wait3A_44 : memref<1x128xi32, #tpu.memory_space<vmem>> -> memref<128xi32, #tpu.memory_space<vmem>>
      %dma_wait3A_46 = arith.constant 0 : i32
      %dma_wait3A_47 = arith.constant 0 : i32
      %dma_wait3A_48 = tpu.memref_slice %arg3[%dma_wait3A_46, %dma_wait3A_47] : memref<10240x128xf32, #tpu.memory_space<hbm>> -> memref<10240x128xf32, #tpu.memory_space<hbm>>
      tpu.wait_indirect_dma semaphore(%arg11 : memref<!tpu.dma_semaphore, #tpu.memory_space<semaphore_mem>>) src(%dma_wait3A_48 : memref<10240x128xf32, #tpu.memory_space<hbm>>) dst(%arg8 : memref<128x128xf32, #tpu.memory_space<vmem>>)
      %run_scoped3A = arith.constant 1 : i32
      "tpu.region"() ({
        %run_scoped3A_76 = tpu.sem_alloc : memref<!tpu.dma_semaphore, #tpu.memory_space<semaphore_mem>>
        %dma_start3A_77 = arith.constant 0 : i32
        %dma_start3A_78 = tpu.memref_slice %arg6[%run_scoped3A, %dma_start3A_77] : memref<2x128xi32, #tpu.memory_space<vmem>> -> memref<1x128xi32, #tpu.memory_space<vmem>>
        %dma_start3A_79 = tpu.memref_squeeze %dma_start3A_78 : memref<1x128xi32, #tpu.memory_space<vmem>> -> memref<128xi32, #tpu.memory_space<vmem>>
        %dma_start3A_80 = arith.constant 0 : i32
        %dma_start3A_81 = arith.constant 0 : i32
        %dma_start3A_82 = tpu.memref_slice %arg10[%dma_start3A_80, %dma_start3A_81] : memref<10240x128xf32, #tpu.memory_space<vmem_shared>> -> memref<10240x128xf32, #tpu.memory_space<vmem_shared>>
        tpu.enqueue_indirect_dma source(%arg8 : memref<128x128xf32, #tpu.memory_space<vmem>>) target(%dma_start3A_82 : memref<10240x128xf32, #tpu.memory_space<vmem_shared>>) offsets(%dma_start3A_79 : memref<128xi32, #tpu.memory_space<vmem>>) semaphore(%run_scoped3A_76 : memref<!tpu.dma_semaphore, #tpu.memory_space<semaphore_mem>>) {add = true}
        %dma_wait3A_83 = arith.constant 0 : i32
        %dma_wait3A_84 = tpu.memref_slice %arg6[%run_scoped3A, %dma_wait3A_83] : memref<2x128xi32, #tpu.memory_space<vmem>> -> memref<1x128xi32, #tpu.memory_space<vmem>>
        %dma_wait3A_85 = tpu.memref_squeeze %dma_wait3A_84 : memref<1x128xi32, #tpu.memory_space<vmem>> -> memref<128xi32, #tpu.memory_space<vmem>>
        %dma_wait3A_86 = arith.constant 0 : i32
        %dma_wait3A_87 = arith.constant 0 : i32
        %dma_wait3A_88 = tpu.memref_slice %arg10[%dma_wait3A_86, %dma_wait3A_87] : memref<10240x128xf32, #tpu.memory_space<vmem_shared>> -> memref<10240x128xf32, #tpu.memory_space<vmem_shared>>
        tpu.wait_indirect_dma semaphore(%run_scoped3A_76 : memref<!tpu.dma_semaphore, #tpu.memory_space<semaphore_mem>>) src(%arg8 : memref<128x128xf32, #tpu.memory_space<vmem>>) dst(%dma_wait3A_88 : memref<10240x128xf32, #tpu.memory_space<vmem_shared>>)
        tpu.yield
      }) : () -> ()
      %add3A_49 = arith.constant 2 : i32
      %add3A_50 = arith.addi %mul3A_31, %add3A_49 : i32
      %jit3A = arith.constant 80 : i32
      %eq3A = arith.constant 0 : i32
      %eq3A_51 = arith.cmpi eq, %jit3A, %eq3A : i32
      %jit3A_52 = arith.constant 1 : i32
      %select_n3A = arith.select %eq3A_51, %jit3A_52, %jit3A : i32
      %rem3A = arith.remsi %add3A_50, %select_n3A : i32
      %ne3A = arith.constant 0 : i32
      %ne3A_53 = arith.cmpi ne, %rem3A, %ne3A : i32
      %lt3A = arith.constant 0 : i32
      %lt3A_54 = arith.cmpi slt, %rem3A, %lt3A : i32
      %lt3A_55 = arith.constant 0 : i32
      %lt3A_56 = arith.cmpi slt, %select_n3A, %lt3A_55 : i32
      %ne3A_57 = arith.xori %lt3A_54, %lt3A_56 : i1
      %and3A = arith.andi %ne3A_57, %ne3A_53 : i1
      %add3A_58 = arith.addi %rem3A, %select_n3A : i32
      %select_n3A_59 = arith.select %and3A, %add3A_58, %rem3A : i32
      %add3A_60 = arith.addi %mul3A_2, %select_n3A_59 : i32
      "tpu.region"() ({
        %run_scoped3A_76 = tpu.sem_alloc : memref<!tpu.dma_semaphore, #tpu.memory_space<semaphore_mem>>
        %dma_start3A_77 = arith.constant 0 : i32
        %dma_start3A_78 = arith.constant 0 : i32
        %dma_start3A_79 = tpu.memref_slice %arg2[%add3A_60, %dma_start3A_77, %dma_start3A_78] : memref<2560x2x128xi32, #tpu.memory_space<hbm>> -> memref<1x2x128xi32, #tpu.memory_space<hbm>>
        %dma_start3A_80 = tpu.memref_squeeze %dma_start3A_79 : memref<1x2x128xi32, #tpu.memory_space<hbm>> -> memref<2x128xi32, #tpu.memory_space<hbm>>
        %dma_start3A_81 = arith.constant 0 : i32
        %dma_start3A_82 = arith.constant 0 : i32
        %dma_start3A_83 = tpu.memref_slice %arg2[%add3A_60, %dma_start3A_81, %dma_start3A_82] : memref<2560x2x128xi32, #tpu.memory_space<hbm>> -> memref<1x2x128xi32, #tpu.memory_space<hbm>>
        %dma_start3A_84 = tpu.memref_squeeze %dma_start3A_83 : memref<1x2x128xi32, #tpu.memory_space<hbm>> -> memref<2x128xi32, #tpu.memory_space<hbm>>
        tpu.enqueue_dma source(%dma_start3A_84 : memref<2x128xi32, #tpu.memory_space<hbm>>) target(%arg6 : memref<2x128xi32, #tpu.memory_space<vmem>>) target_semaphore(%run_scoped3A_76 : memref<!tpu.dma_semaphore, #tpu.memory_space<semaphore_mem>>)
        %dma_wait3A_85 = arith.constant 0 : i32
        %dma_wait3A_86 = arith.constant 0 : i32
        %dma_wait3A_87 = tpu.memref_slice %arg2[%add3A_60, %dma_wait3A_85, %dma_wait3A_86] : memref<2560x2x128xi32, #tpu.memory_space<hbm>> -> memref<1x2x128xi32, #tpu.memory_space<hbm>>
        %dma_wait3A_88 = tpu.memref_squeeze %dma_wait3A_87 : memref<1x2x128xi32, #tpu.memory_space<hbm>> -> memref<2x128xi32, #tpu.memory_space<hbm>>
        %dma_wait3A_89 = arith.constant 0 : i32
        %dma_wait3A_90 = arith.constant 0 : i32
        %dma_wait3A_91 = tpu.memref_slice %arg2[%add3A_60, %dma_wait3A_89, %dma_wait3A_90] : memref<2560x2x128xi32, #tpu.memory_space<hbm>> -> memref<1x2x128xi32, #tpu.memory_space<hbm>>
        %dma_wait3A_92 = tpu.memref_squeeze %dma_wait3A_91 : memref<1x2x128xi32, #tpu.memory_space<hbm>> -> memref<2x128xi32, #tpu.memory_space<hbm>>
        tpu.wait_dma2 semaphore(%run_scoped3A_76 : memref<!tpu.dma_semaphore, #tpu.memory_space<semaphore_mem>>) src(%dma_wait3A_92 : memref<2x128xi32, #tpu.memory_space<hbm>>) dst(%arg6 : memref<2x128xi32, #tpu.memory_space<vmem>>)
        tpu.yield
      }) : () -> ()
      %dma_start3A_61 = arith.constant 0 : i32
      %dma_start3A_62 = arith.constant 0 : i32
      %dma_start3A_63 = tpu.memref_slice %arg6[%dma_start3A_61, %dma_start3A_62] : memref<2x128xi32, #tpu.memory_space<vmem>> -> memref<1x128xi32, #tpu.memory_space<vmem>>
      %dma_start3A_64 = tpu.memref_squeeze %dma_start3A_63 : memref<1x128xi32, #tpu.memory_space<vmem>> -> memref<128xi32, #tpu.memory_space<vmem>>
      %dma_start3A_65 = arith.constant 0 : i32
      %dma_start3A_66 = arith.constant 0 : i32
      %dma_start3A_67 = tpu.memref_slice %arg3[%dma_start3A_65, %dma_start3A_66] : memref<10240x128xf32, #tpu.memory_space<hbm>> -> memref<10240x128xf32, #tpu.memory_space<hbm>>
      tpu.enqueue_indirect_dma source(%dma_start3A_67 : memref<10240x128xf32, #tpu.memory_space<hbm>>) target(%arg8 : memref<128x128xf32, #tpu.memory_space<vmem>>) offsets(%dma_start3A_64 : memref<128xi32, #tpu.memory_space<vmem>>) semaphore(%arg11 : memref<!tpu.dma_semaphore, #tpu.memory_space<semaphore_mem>>)
      %dma_wait3A_68 = arith.constant 0 : i32
      %dma_wait3A_69 = arith.constant 0 : i32
      %dma_wait3A_70 = tpu.memref_slice %arg7[%dma_wait3A_68, %dma_wait3A_69] : memref<2x128xi32, #tpu.memory_space<vmem>> -> memref<1x128xi32, #tpu.memory_space<vmem>>
      %dma_wait3A_71 = tpu.memref_squeeze %dma_wait3A_70 : memref<1x128xi32, #tpu.memory_space<vmem>> -> memref<128xi32, #tpu.memory_space<vmem>>
      %dma_wait3A_72 = arith.constant 0 : i32
      %dma_wait3A_73 = arith.constant 0 : i32
      %dma_wait3A_74 = tpu.memref_slice %arg3[%dma_wait3A_72, %dma_wait3A_73] : memref<10240x128xf32, #tpu.memory_space<hbm>> -> memref<10240x128xf32, #tpu.memory_space<hbm>>
      tpu.wait_indirect_dma semaphore(%arg12 : memref<!tpu.dma_semaphore, #tpu.memory_space<semaphore_mem>>) src(%dma_wait3A_74 : memref<10240x128xf32, #tpu.memory_space<hbm>>) dst(%arg9 : memref<128x128xf32, #tpu.memory_space<vmem>>)
      %run_scoped3A_75 = arith.constant 1 : i32
      "tpu.region"() ({
        %run_scoped3A_76 = tpu.sem_alloc : memref<!tpu.dma_semaphore, #tpu.memory_space<semaphore_mem>>
        %dma_start3A_77 = arith.constant 0 : i32
        %dma_start3A_78 = tpu.memref_slice %arg7[%run_scoped3A_75, %dma_start3A_77] : memref<2x128xi32, #tpu.memory_space<vmem>> -> memref<1x128xi32, #tpu.memory_space<vmem>>
        %dma_start3A_79 = tpu.memref_squeeze %dma_start3A_78 : memref<1x128xi32, #tpu.memory_space<vmem>> -> memref<128xi32, #tpu.memory_space<vmem>>
        %dma_start3A_80 = arith.constant 0 : i32
        %dma_start3A_81 = arith.constant 0 : i32
        %dma_start3A_82 = tpu.memref_slice %arg10[%dma_start3A_80, %dma_start3A_81] : memref<10240x128xf32, #tpu.memory_space<vmem_shared>> -> memref<10240x128xf32, #tpu.memory_space<vmem_shared>>
        tpu.enqueue_indirect_dma source(%arg9 : memref<128x128xf32, #tpu.memory_space<vmem>>) target(%dma_start3A_82 : memref<10240x128xf32, #tpu.memory_space<vmem_shared>>) offsets(%dma_start3A_79 : memref<128xi32, #tpu.memory_space<vmem>>) semaphore(%run_scoped3A_76 : memref<!tpu.dma_semaphore, #tpu.memory_space<semaphore_mem>>) {add = true}
        %dma_wait3A_83 = arith.constant 0 : i32
        %dma_wait3A_84 = tpu.memref_slice %arg7[%run_scoped3A_75, %dma_wait3A_83] : memref<2x128xi32, #tpu.memory_space<vmem>> -> memref<1x128xi32, #tpu.memory_space<vmem>>
        %dma_wait3A_85 = tpu.memref_squeeze %dma_wait3A_84 : memref<1x128xi32, #tpu.memory_space<vmem>> -> memref<128xi32, #tpu.memory_space<vmem>>
        %dma_wait3A_86 = arith.constant 0 : i32
        %dma_wait3A_87 = arith.constant 0 : i32
        %dma_wait3A_88 = tpu.memref_slice %arg10[%dma_wait3A_86, %dma_wait3A_87] : memref<10240x128xf32, #tpu.memory_space<vmem_shared>> -> memref<10240x128xf32, #tpu.memory_space<vmem_shared>>
        tpu.wait_indirect_dma semaphore(%run_scoped3A_76 : memref<!tpu.dma_semaphore, #tpu.memory_space<semaphore_mem>>) src(%arg9 : memref<128x128xf32, #tpu.memory_space<vmem>>) dst(%dma_wait3A_88 : memref<10240x128xf32, #tpu.memory_space<vmem_shared>>)
        tpu.yield
      }) : () -> ()
    }
    %scan3A_17 = arith.constant 40 : i32
    %dma_wait3A = arith.constant 0 : i32
    %dma_wait3A_18 = arith.constant 0 : i32
    %dma_wait3A_19 = tpu.memref_slice %arg6[%dma_wait3A, %dma_wait3A_18] : memref<2x128xi32, #tpu.memory_space<vmem>> -> memref<1x128xi32, #tpu.memory_space<vmem>>
    %dma_wait3A_20 = tpu.memref_squeeze %dma_wait3A_19 : memref<1x128xi32, #tpu.memory_space<vmem>> -> memref<128xi32, #tpu.memory_space<vmem>>
    %dma_wait3A_21 = arith.constant 0 : i32
    %dma_wait3A_22 = arith.constant 0 : i32
    %dma_wait3A_23 = tpu.memref_slice %arg3[%dma_wait3A_21, %dma_wait3A_22] : memref<10240x128xf32, #tpu.memory_space<hbm>> -> memref<10240x128xf32, #tpu.memory_space<hbm>>
    tpu.wait_indirect_dma semaphore(%arg11 : memref<!tpu.dma_semaphore, #tpu.memory_space<semaphore_mem>>) src(%dma_wait3A_23 : memref<10240x128xf32, #tpu.memory_space<hbm>>) dst(%arg8 : memref<128x128xf32, #tpu.memory_space<vmem>>)
    %barrier3A_24 = arith.constant 0 : index
    tpu.barrier barrier_id(%barrier3A_24)
    %mul3A_25 = arith.constant 640 : i32
    %mul3A_26 = arith.muli %arg1, %mul3A_25 : i32
    %mul3A_27 = arith.constant 640 : i32
    %mul3A_28 = arith.muli %arg1, %mul3A_27 : i32
    "tpu.region"() ({
      %run_scoped3A = tpu.sem_alloc : memref<!tpu.dma_semaphore, #tpu.memory_space<semaphore_mem>>
      %dma_start3A_29 = arith.constant 0 : i32
      %dma_start3A_30 = tpu.memref_slice %arg5[%arg0, %mul3A_28, %dma_start3A_29] : memref<2x10240x128xf32, #tpu.memory_space<hbm>> -> memref<1x640x128xf32, #tpu.memory_space<hbm>>
      %dma_start3A_31 = tpu.memref_squeeze %dma_start3A_30 : memref<1x640x128xf32, #tpu.memory_space<hbm>> -> memref<640x128xf32, #tpu.memory_space<hbm>>
      %dma_start3A_32 = arith.constant 0 : i32
      %dma_start3A_33 = tpu.memref_slice %arg10[%mul3A_26, %dma_start3A_32] : memref<10240x128xf32, #tpu.memory_space<vmem_shared>> -> memref<640x128xf32, #tpu.memory_space<vmem_shared>>
      tpu.enqueue_dma source(%dma_start3A_33 : memref<640x128xf32, #tpu.memory_space<vmem_shared>>) target(%dma_start3A_31 : memref<640x128xf32, #tpu.memory_space<hbm>>) target_semaphore(%run_scoped3A : memref<!tpu.dma_semaphore, #tpu.memory_space<semaphore_mem>>)
      %dma_wait3A_34 = arith.constant 0 : i32
      %dma_wait3A_35 = tpu.memref_slice %arg5[%arg0, %mul3A_28, %dma_wait3A_34] : memref<2x10240x128xf32, #tpu.memory_space<hbm>> -> memref<1x640x128xf32, #tpu.memory_space<hbm>>
      %dma_wait3A_36 = tpu.memref_squeeze %dma_wait3A_35 : memref<1x640x128xf32, #tpu.memory_space<hbm>> -> memref<640x128xf32, #tpu.memory_space<hbm>>
      %dma_wait3A_37 = arith.constant 0 : i32
      %dma_wait3A_38 = tpu.memref_slice %arg10[%mul3A_26, %dma_wait3A_37] : memref<10240x128xf32, #tpu.memory_space<vmem_shared>> -> memref<640x128xf32, #tpu.memory_space<vmem_shared>>
      tpu.wait_dma2 semaphore(%run_scoped3A : memref<!tpu.dma_semaphore, #tpu.memory_space<semaphore_mem>>) src(%dma_wait3A_38 : memref<640x128xf32, #tpu.memory_space<vmem_shared>>) dst(%dma_wait3A_36 : memref<640x128xf32, #tpu.memory_space<hbm>>)
      tpu.yield
    }) : () -> ()
    return
  }
}

module attributes {stable_mosaic.version = 14 : i64} {
  func.func @_lin_body(%arg0: i32, %arg1: memref<1280x128xf32, #tpu.memory_space<vmem>>, %arg2: memref<128x128xf32, #tpu.memory_space<vmem>>, %arg3: memref<2x1280x1xf32, #tpu.memory_space<vmem>>, %arg4: memref<1280x128xf32, #tpu.memory_space<vmem>>, %arg5: memref<1280x1xf32, #tpu.memory_space<vmem>>) attributes {dimension_semantics = [#tpu.dimension_semantics<arbitrary>], iteration_bounds = array<i64: 8>, scalar_prefetch = 0 : i64, scratch_operands = 0 : i64, tpu.core_type = #tpu.core_type<tc>, window_params = [{transform_indices = @transform_0, window_bounds = array<i64: 1280, 128>}, {pipeline_mode = #tpu.pipeline_mode<synchronous>, transform_indices = @transform_1, window_bounds = array<i64: 128, 128>}, {transform_indices = @transform_2, window_bounds = array<i64: 2, 1280, 1>}, {transform_indices = @transform_3, window_bounds = array<i64: 1280, 128>}, {transform_indices = @transform_4, window_bounds = array<i64: 1280, 1>}]} {
    %get3A = arith.constant 0 : index
    %get3A_0 = arith.constant 0 : index
    %get3A_1 = vector.load %arg1[%get3A, %get3A_0] : memref<1280x128xf32, #tpu.memory_space<vmem>>, vector<1280x128xf32>
    %get3A_2 = arith.constant 0 : index
    %get3A_3 = arith.constant 0 : index
    %get3A_4 = vector.load %arg2[%get3A_2, %get3A_3] : memref<128x128xf32, #tpu.memory_space<vmem>>, vector<128x128xf32>
    %dot_general3A = arith.constant dense<0.000000e+00> : vector<1280x128xf32>
    %dot_general3A_5 = tpu.matmul %get3A_1, %get3A_4, %dot_general3A {dimension_numbers = #tpu.dot_dimension_numbers<[1], [0], [0], [1], [0, 0, 1, 1], [], []>, transpose_lhs_hint = false} : vector<1280x128xf32>, vector<128x128xf32>, vector<1280x128xf32> -> vector<1280x128xf32>
    %get3A_6 = arith.constant 0 : index
    %get3A_7 = arith.constant 0 : index
    %get3A_8 = arith.constant 0 : index
    %get3A_9 = vector.load %arg3[%get3A_6, %get3A_7, %get3A_8] : memref<2x1280x1xf32, #tpu.memory_space<vmem>>, vector<1x1280x1xf32>
    %get3A_10 = vector.shape_cast %get3A_9 : vector<1x1280x1xf32> to vector<1280x1xf32>
    %get3A_11 = arith.constant 1 : index
    %get3A_12 = arith.constant 0 : index
    %get3A_13 = arith.constant 0 : index
    %get3A_14 = vector.load %arg3[%get3A_11, %get3A_12, %get3A_13] : memref<2x1280x1xf32, #tpu.memory_space<vmem>>, vector<1x1280x1xf32>
    %get3A_15 = vector.shape_cast %get3A_14 : vector<1x1280x1xf32> to vector<1280x1xf32>
    %add3A = arith.addf %get3A_10, %get3A_15 : vector<1280x1xf32>
    %add3A_16 = arith.constant 1.000000e+00 : f32
    %add3A_17 = vector.broadcast %add3A_16 : f32 to vector<1280x1xf32>
    %add3A_18 = arith.addf %add3A, %add3A_17 : vector<1280x1xf32>
    %rsqrt3A = math.rsqrt %add3A_18 : vector<1280x1xf32>
    %swap3A = arith.constant 0 : index
    %swap3A_19 = arith.constant 0 : index
    %swap3A_20 = vector.load %arg5[%swap3A, %swap3A_19] : memref<1280x1xf32, #tpu.memory_space<vmem>>, vector<1280x1xf32>
    tpu.vector_store %arg5[%swap3A, %swap3A_19], %rsqrt3A {strides = array<i32>} : memref<1280x1xf32, #tpu.memory_space<vmem>>, vector<1280x1xf32>,
    %mul3A = vector.broadcast %rsqrt3A : vector<1280x1xf32> to vector<1280x128xf32>
    %mul3A_21 = arith.mulf %dot_general3A_5, %mul3A : vector<1280x128xf32>
    %swap3A_22 = arith.constant 0 : index
    %swap3A_23 = arith.constant 0 : index
    %swap3A_24 = vector.load %arg4[%swap3A_22, %swap3A_23] : memref<1280x128xf32, #tpu.memory_space<vmem>>, vector<1280x128xf32>
    tpu.vector_store %arg4[%swap3A_22, %swap3A_23], %mul3A_21 {strides = array<i32>} : memref<1280x128xf32, #tpu.memory_space<vmem>>, vector<1280x128xf32>,
    return
  }
  func.func @transform_0(%arg0: i32) -> (i32, i32) {
    %c0_i32 = arith.constant 0 : i32
    %c0_i32_0 = arith.constant 0 : i32
    return %arg0, %c0_i32 : i32, i32
  }
  func.func @transform_1(%arg0: i32) -> (i32, i32) {
    %c0_i32 = arith.constant 0 : i32
    %c0_i32_0 = arith.constant 0 : i32
    %c0_i32_1 = arith.constant 0 : i32
    return %c0_i32, %c0_i32_0 : i32, i32
  }
  func.func @transform_2(%arg0: i32) -> (i32, i32, i32) {
    %c0_i32 = arith.constant 0 : i32
    %c0_i32_0 = arith.constant 0 : i32
    %c0_i32_1 = arith.constant 0 : i32
    return %c0_i32, %arg0, %c0_i32_0 : i32, i32, i32
  }
  func.func @transform_3(%arg0: i32) -> (i32, i32) {
    %c0_i32 = arith.constant 0 : i32
    %c0_i32_0 = arith.constant 0 : i32
    return %arg0, %c0_i32 : i32, i32
  }
  func.func @transform_4(%arg0: i32) -> (i32, i32) {
    %c0_i32 = arith.constant 0 : i32
    %c0_i32_0 = arith.constant 0 : i32
    return %arg0, %c0_i32 : i32, i32
  }
}

module attributes {stable_mosaic.version = 14 : i64} {
  func.func @_out_body(%arg0: i32, %arg1: memref<2x1280x128xf32, #tpu.memory_space<vmem>>, %arg2: memref<1280x128xf32, #tpu.memory_space<vmem>>, %arg3: memref<1280x1xf32, #tpu.memory_space<vmem>>, %arg4: memref<1x128xf32, #tpu.memory_space<vmem>>, %arg5: memref<1280x128xf32, #tpu.memory_space<vmem>>) attributes {dimension_semantics = [#tpu.dimension_semantics<arbitrary>], iteration_bounds = array<i64: 8>, scalar_prefetch = 0 : i64, scratch_operands = 0 : i64, tpu.core_type = #tpu.core_type<tc>, window_params = [{transform_indices = @transform_0, window_bounds = array<i64: 2, 1280, 128>}, {transform_indices = @transform_1, window_bounds = array<i64: 1280, 128>}, {transform_indices = @transform_2, window_bounds = array<i64: 1280, 1>}, {pipeline_mode = #tpu.pipeline_mode<synchronous>, transform_indices = @transform_3, window_bounds = array<i64: 1, 128>}, {transform_indices = @transform_4, window_bounds = array<i64: 1280, 128>}]} {
    %get3A = arith.constant 0 : index
    %get3A_0 = arith.constant 0 : index
    %get3A_1 = arith.constant 0 : index
    %get3A_2 = vector.load %arg1[%get3A, %get3A_0, %get3A_1] : memref<2x1280x128xf32, #tpu.memory_space<vmem>>, vector<1x1280x128xf32>
    %get3A_3 = vector.shape_cast %get3A_2 : vector<1x1280x128xf32> to vector<1280x128xf32>
    %get3A_4 = arith.constant 1 : index
    %get3A_5 = arith.constant 0 : index
    %get3A_6 = arith.constant 0 : index
    %get3A_7 = vector.load %arg1[%get3A_4, %get3A_5, %get3A_6] : memref<2x1280x128xf32, #tpu.memory_space<vmem>>, vector<1x1280x128xf32>
    %get3A_8 = vector.shape_cast %get3A_7 : vector<1x1280x128xf32> to vector<1280x128xf32>
    %add3A = arith.addf %get3A_3, %get3A_8 : vector<1280x128xf32>
    %get3A_9 = arith.constant 0 : index
    %get3A_10 = arith.constant 0 : index
    %get3A_11 = vector.load %arg2[%get3A_9, %get3A_10] : memref<1280x128xf32, #tpu.memory_space<vmem>>, vector<1280x128xf32>
    %add3A_12 = arith.addf %add3A, %get3A_11 : vector<1280x128xf32>
    %get3A_13 = arith.constant 0 : index
    %get3A_14 = arith.constant 0 : index
    %get3A_15 = vector.load %arg3[%get3A_13, %get3A_14] : memref<1280x1xf32, #tpu.memory_space<vmem>>, vector<1280x1xf32>
    %mul3A = vector.broadcast %get3A_15 : vector<1280x1xf32> to vector<1280x128xf32>
    %mul3A_16 = arith.mulf %add3A_12, %mul3A : vector<1280x128xf32>
    %get3A_17 = arith.constant 0 : index
    %get3A_18 = arith.constant 0 : index
    %get3A_19 = vector.load %arg4[%get3A_17, %get3A_18] : memref<1x128xf32, #tpu.memory_space<vmem>>, vector<1x128xf32>
    %add3A_20 = vector.broadcast %get3A_19 : vector<1x128xf32> to vector<1280x128xf32>
    %add3A_21 = arith.addf %mul3A_16, %add3A_20 : vector<1280x128xf32>
    %max3A = arith.constant 0.000000e+00 : f32
    %max3A_22 = vector.broadcast %max3A : f32 to vector<1280x128xf32>
    %max3A_23 = arith.maximumf %add3A_21, %max3A_22 : vector<1280x128xf32>
    %swap3A = arith.constant 0 : index
    %swap3A_24 = arith.constant 0 : index
    %swap3A_25 = vector.load %arg5[%swap3A, %swap3A_24] : memref<1280x128xf32, #tpu.memory_space<vmem>>, vector<1280x128xf32>
    tpu.vector_store %arg5[%swap3A, %swap3A_24], %max3A_23 {strides = array<i32>} : memref<1280x128xf32, #tpu.memory_space<vmem>>, vector<1280x128xf32>,
    return
  }
  func.func @transform_0(%arg0: i32) -> (i32, i32, i32) {
    %c0_i32 = arith.constant 0 : i32
    %c0_i32_0 = arith.constant 0 : i32
    %c0_i32_1 = arith.constant 0 : i32
    return %c0_i32, %arg0, %c0_i32_0 : i32, i32, i32
  }
  func.func @transform_1(%arg0: i32) -> (i32, i32) {
    %c0_i32 = arith.constant 0 : i32
    %c0_i32_0 = arith.constant 0 : i32
    return %arg0, %c0_i32 : i32, i32
  }
  func.func @transform_2(%arg0: i32) -> (i32, i32) {
    %c0_i32 = arith.constant 0 : i32
    %c0_i32_0 = arith.constant 0 : i32
    return %arg0, %c0_i32 : i32, i32
  }
  func.func @transform_3(%arg0: i32) -> (i32, i32) {
    %c0_i32 = arith.constant 0 : i32
    %c0_i32_0 = arith.constant 0 : i32
    %c0_i32_1 = arith.constant 0 : i32
    return %c0_i32, %c0_i32_0 : i32, i32
  }
  func.func @transform_4(%arg0: i32) -> (i32, i32) {
    %c0_i32 = arith.constant 0 : i32
    %c0_i32_0 = arith.constant 0 : i32
    return %arg0, %c0_i32 : i32, i32
  }
}

</mosaic_0001>

<sc_bundles>
// kernel: kernel.6.cloned.1.call-start
scs
__scs_entry_jumppad:
0x0: {  	(pc) =	sbr.rel $0x88, $3  }
0x1: {  	(tag) =	ssettag $0x0;
	lr =	simm.s32 $0x1  }
0x2: {  	[smem:$0x3F9D] =	sst lr;
	_ =	strace $0xD0000000  }
0x3: {  	_ = 	snop  }
0x4: {  	_ = 	snop  }
0x5: {  	_ = 	snop  }
0x6: {  	_ = 	snop  }
0x7: {  	_ = 	snop  }
__scs_overlays_trampoline_lowered:
0x8: {  	[smem:$0x3FAC] =	sst s0  }
0x9: {  	[smem:$0x3FAD] =	sst s1  }
0xa: {  	[smem:$0x3FAE] =	sst s2  }
0xb: {  	[smem:$0x3FAF] =	sst s3  }
0xc: {  	[smem:$0x3FB0] =	sst s4  }
0xd: {  	[smem:$0x3FB1] =	sst s5  }
0xe: {  	[smem:$0x3FB2] =	sst s6  }
0xf: {  	[smem:$0x3FB3] =	sst s7  }
0x10: {  	[smem:$0x3FB4] =	sst s8  }
0x11: {  	[smem:$0x3FB5] =	sst s9;
	s0 =	simm.s32 @!p0 $0x0  }
0x12: {  	s1 =	sld [smem:$0x3F9B];
	s0 =	simm.s32 @p0 $0x1  }
0x13: {  	[smem:$0x3FB6] =	sst s0;
	s0 =	simm.s32 @!p1 $0x0  }
0x14: {  	s2 =	sld [smem:$0x3F9A];
	s0 =	simm.s32 @p1 $0x1  }
0x15: {  	[smem:$0x3FB7] =	sst s0;
	s0 =	simm.s32 @!p2 $0x0  }
0x16: {  	s3 =	sld [smem:$0x3FDB];
	s0 =	simm.s32 @p2 $0x1  }
0x17: {  	s4 =	simm.s32 $0x1BF5;
	[smem:$0x3FB9] =	sst s0  }
0x18: {  	s0 =	sld [smem:$0x3F9C];
	_ =	swait.ge [sflag:s4], $0x0  }
0x19: {  	s7 =	sld [smem:$0x3F9D]  }
0x1a: {  	s8 =	sadd.s32 $0xFFFFE003, lr  }
0x1b: {  	s9 =	sadd.s32 $0xFFFFFEF7, lr;
	s5 =	simm.s32 $0xFFFFFFFF;
	p2 =	slt.u32 s8, $0xFFFFF086  }
0x1c: {  	p1 =	slt.u32 s9, $0xF7A;
	s5 =	simm.s32 @!p2 $0x0  }
0x1d: {  	s5 =	simm.s32 @p1 $0x1;
	p0 =	seq.s32 s7, s2  }
0x1e: {  	s7 =	smul.u32 @!p0 $0xF7A, s2;
	p2 =	seq.s32 @!p0 s5, $0x0  }
0x1f: {  	s9 =	smul.u32 $0xF7A, s1;
	s8 =	simm.s32 @!p0 $0x1BF5;
	p2 =	por !p2, p0  }
0x20: {  	[sflag:s8] =	ssyncset.s32 @!p0 $0xFFFFF086;
	s6 =	sadd.s32 @!p0 s3, s7;
	s7 =	simm.s32 @!p0 $0x108  }
0x21: {  	s3 =	sadd.s32 s3, s9;
	s6 =	sadd.s32 @!p0 $0x88, s6;
	s7 =	simm.s32 @p2 $0x1082  }
0x22: {  	[simem:s7], [sflag:s8] =	dma.local @!p0 [hbm:s6], $0xF7A  }
0x23: {  	s9 =	sor.u32 $0xD0000000, s2;
	s6 =	simm.s32 $0x108;
	_ =	swait.ge @!p0 [sflag:s8], $0x0  }
0x24: {  	s3 =	sadd.s32 $0x88, s3;
	s6 =	simm.s32 @!p1 $0x1082;
	[sflag:s4] =	ssyncset.s32 $0xFFFFF086  }
0x25: {  	[simem:s6], [sflag:s4] =	dma.local [hbm:s3], $0xF7A  }
0x26: {  	[smem:$0x3F9D] =	sst s1;
	(tag) =	ssettag s2;
	_ =	strace s9  }
0x27: {  	s1 =	sld [smem:$0x3FAD]  }
0x28: {  	s2 =	sld [smem:$0x3FAE]  }
0x29: {  	s4 =	sld [smem:$0x3FB0]  }
0x2a: {  	p0 =	seq.s32 s5, $0x0;
	s5 =	sld [smem:$0x3FB1]  }
0x2b: {  	s6 =	sld [smem:$0x3FB2]  }
0x2c: {  	s7 =	sld [smem:$0x3FB3]  }
0x2d: {  	s3 =	simm.s32 $0x108;
	s8 =	sld [smem:$0x3FB4]  }
0x2e: {  	s3 =	simm.s32 @!p0 $0x1082;
	s9 =	sld [smem:$0x3FB5]  }
0x2f: {  	lr =	sadd.s32 s0, s3;
	s0 =	sld [smem:$0x3FAC]  }
0x30: {  	s3 =	sld [smem:$0x3FAF]  }
0x31: {  	[smem:$0x3FB8] =	sst s10  }
0x32: {  	s10 =	sld [smem:$0x3FB6];
	_ =	sdelay $0x3  }
0x33: {  	p0 =	seq.s32 s10, $0x1;
	s10 =	sld [smem:$0x3FB8];
	_ =	sdelay $0x3  }
0x34: {  	[smem:$0x3FB8] =	sst s10  }
0x35: {  	s10 =	sld [smem:$0x3FB7];
	_ =	sdelay $0x3  }
0x36: {  	p1 =	seq.s32 s10, $0x1;
	s10 =	sld [smem:$0x3FB8];
	_ =	sdelay $0x3  }
0x37: {  	[smem:$0x3FB8] =	sst s10  }
0x38: {  	s10 =	sld [smem:$0x3FB9]  }
0x39: {  	_ = 	snop;
	(pc) =	sbr.ind lr, $3  }
0x3a: {  	_ = 	snop  }
0x3b: {  	_ = 	snop  }
0x3c: {  	p2 =	seq.s32 s10, $0x1;
	s10 =	sld [smem:$0x3FB8]  }
0x3d: {  	_ =	shalt  }
0x3e: {  	_ =	shalt  }
0x3f: {  	_ =	shalt  }
0x40: {  	_ =	shalt  }
0x41: {  	_ =	shalt  }
0x42: {  	_ =	shalt  }
0x43: {  	_ =	shalt  }
0x44: {  	_ =	shalt  }
0x45: {  	_ =	shalt  }
0x46: {  	_ =	shalt  }
0x47: {  	_ =	shalt  }
0x48: {  	_ =	shalt  }
0x49: {  	_ =	shalt  }
0x4a: {  	_ =	shalt  }
0x4b: {  	_ =	shalt  }
0x4c: {  	_ =	shalt  }
0x4d: {  	_ =	shalt  }
0x4e: {  	_ =	shalt  }
0x4f: {  	_ =	shalt  }
0x50: {  	_ =	shalt  }
0x51: {  	_ =	shalt  }
0x52: {  	_ =	shalt  }
0x53: {  	_ =	shalt  }
0x54: {  	_ =	shalt  }
0x55: {  	_ =	shalt  }
0x56: {  	_ =	shalt  }
0x57: {  	_ =	shalt  }
0x58: {  	_ =	shalt  }
0x59: {  	_ =	shalt  }
0x5a: {  	_ =	shalt  }
0x5b: {  	_ =	shalt  }
0x5c: {  	_ =	shalt  }
0x5d: {  	_ =	shalt  }
0x5e: {  	_ =	shalt  }
0x5f: {  	_ =	shalt  }
0x60: {  	_ =	shalt  }
0x61: {  	_ =	shalt  }
0x62: {  	_ =	shalt  }
0x63: {  	_ =	shalt  }
0x64: {  	_ =	shalt  }
0x65: {  	_ =	shalt  }
0x66: {  	_ =	shalt  }
0x67: {  	_ =	shalt  }
0x68: {  	_ =	shalt  }
0x69: {  	_ =	shalt  }
0x6a: {  	_ =	shalt  }
0x6b: {  	_ =	shalt  }
0x6c: {  	_ =	shalt  }
0x6d: {  	_ =	shalt  }
0x6e: {  	_ =	shalt  }
0x6f: {  	_ =	shalt  }
0x70: {  	_ =	shalt  }
0x71: {  	_ =	shalt  }
0x72: {  	_ =	shalt  }
0x73: {  	_ =	shalt  }
0x74: {  	_ =	shalt  }
0x75: {  	_ =	shalt  }
0x76: {  	_ =	shalt  }
0x77: {  	_ =	shalt  }
0x78: {  	_ =	shalt  }
0x79: {  	_ =	shalt  }
0x7a: {  	_ =	shalt  }
0x7b: {  	_ =	shalt  }
0x7c: {  	_ =	shalt  }
0x7d: {  	_ =	shalt  }
0x7e: {  	_ =	shalt  }
0x7f: {  	_ =	shalt  }
0x80: {  	_ =	shalt  }
0x81: {  	_ =	shalt  }
0x82: {  	_ =	shalt  }
0x83: {  	_ =	shalt  }
0x84: {  	_ =	shalt  }
0x85: {  	_ =	shalt  }
0x86: {  	_ =	shalt  }
0x87: {  	_ =	shalt  }
.Lfunc_end0:
.L_simem_size_0:
called_computation_lowered:
.L_overlay_start_0:
0x88: {  	s2 =	sld [smem:$0x3FD9]  }
0x89: {  	s3 =	sld [smem:$0x3FFE];
	_ =	sdelay $0x1  }
0x8a: {  	s1 =	srdreg.scid  }
0x8b: {  	s0 =	sand.u32 $0x1, s1  }
0x8c: {  	s17 =	sshll.u32 s0, $0xA;
	s2 =	sadd.s32 s3, s2  }
0x8d: {  	s2 =	sadd.s32 s2, s17  }
0x8e: {  	[smem:$0x3FC4] =	sst s2  }
0x8f: {  	_ = 	snop  }
0x90: {  	s2 =	sld [smem:$0x3FD0];
	(tm) =	ssettm $0x1  }
0x91: {  	s18 =	sld [smem:$0x3FFB];
	_ =	sdelay $0x3  }
0x92: {  	_ =	strace s18  }
0x93: {  	s3 =	sld [smem:$0x3FFC];
	_ =	sdelay $0x3  }
0x94: {  	_ =	strace s3  }
0x95: {  	s3 =	sld [smem:$0x3FFD];
	_ =	sdelay $0x3  }
0x96: {  	_ =	strace s3  }
0x97: {  	_ =	strace $0x8FFFFFFF  }
0x98: {  	s19 =	sld [smem:$0x3FDB];
	_ =	sdelay $0x1  }
0x99: {  	s4 =	simm.s32 $_scs_section_size  }
0x9a: {  	s5 =	simm.s32 $_size__tile_overlayer_lowered;
	s6 =	simm.s32 $_tile_overlayer_lowered  }
0x9b: {  	s22 =	simm.s32 $0x1BFF;
	s21 =	sshll.u32 s6, $0x1;
	s3 =	sadd.s32 s4, s19  }
0x9c: {  	s7 =	simm.s32 $0x0;
	s20 =	sshll.u32 s5, $0x1;
	s5 =	sadd.s32 s21, s3  }
0x9d: {  	[timem:s7], [sflag:s22] =	dma.local [hbm:s5], s20  }
0x9e: {  	_ =	swait.ge [sflag:s22], s20  }
0x9f: {  	s4 =	ssub.s32 $0x0, s20;
	[sflag:s22] =	ssyncset.done $0x0  }
0xa0: {  	[sflag:s22] =	ssyncadd.s32 s4;
	_ =	sdelay $0x1  }
0xa1: {  	s23 =	simm.s32 $0x1B8B  }
0xa2: {  	_ =	swait.ge [sflag:s23], $0x1  }
0xa3: {  	[sflag:s23] =	ssyncset.done $0x0  }
0xa4: {  	s25 =	simm.s32 $0x1B8E;
	s24 =	sld [smem:$0x3FFE];
	[sflag:s23] =	ssyncadd.s32 $0xFFFFFFFF  }
0xa5: {  	s26 =	simm.s32 $execute0_lowered;
	[smem:$0x3FD2] =	sst s25  }
0xa6: {  	s5 =	sshll.u32 s26, $0x1;
	_ =	strace $0x80000046;
	[dreg:$0x1] =	wrdreg $0xFFFFFFFF  }
0xa7: {  	s28 =	simm.s32 $_size_execute0_lowered;
	s3 =	sadd.s32 s3, s5;
	[dreg:$0x0] =	wrdreg $0x0  }
0xa8: {  	s5 =	sshll.u32 s28, $0x1;
	[dreg:$0x2] =	wrdreg s3  }
0xa9: {  	[dreg:$0x3] =	wrdreg s5  }
0xaa: {  	[dreg:$0x4] =	wrdreg $0xC0  }
0xab: {  	_ =	task [dreg:s7], $0x5FFFF  }
0xac: {  	[dreg:$0x1] =	wrdreg $0xFFFFFFFF  }
0xad: {  	[dreg:$0x0] =	wrdreg $0x60  }
0xae: {  	[dreg:$0x2] =	wrdreg s2  }
0xaf: {  	[dreg:$0x3] =	wrdreg s24  }
0xb0: {  	[dreg:$0x4] =	wrdreg $0x1800  }
0xb1: {  	[dreg:$0x5] =	wrdreg $0x9  }
0xb2: {  	_ =	task.clear_ibuf [dreg:s7], $0x6FFFF;
	_ =	strace $0x90000046  }
0xb3: {  	s29 =	simm.s32 $0x9;
	_ =	strace $0x80000048  }
0xb4: {  	_ =	swait.ge [sflag:s29], $0x1  }
0xb5: {  	[sflag:s29] =	ssyncadd.s32 $0xFFFFFFFF  }
0xb6: {  	_ =	strace $0x90000048  }
0xb7: {  	_ =	sfence  }
0xb8: {  	s30 =	sld [smem:$0x0];
	_ =	sdelay $0x2  }
0xb9: {  	s31 =	sshll.u32 s1, $0xD;
	s1 =	sshrl.u32 s1, $0x2  }
0xba: {  	s3 =	sand.u32 $0x4000, s31;
	s1 =	sadd.s32 s1, s30  }
0xbb: {  	s0 =	sor.u32 s3, s0;
	s1 =	sshll.u32 s1, $0x11  }
0xbc: {  	s0 =	sor.u32 s1, s0  }
0xbd: {  	s0 =	sadd.s32 $0x8F2B, s0  }
0xbe: {  	[sflag:s0] =	ssyncadd.remote.s32 $0x1  }
0xbf: {  	_ =	sfence.sel $0xFFFF  }
0xc0: {  	[dreg:$0x0] =	wrdreg $0xFFFFFFFF;
	(pc) =	sbr.abs _section_cstart, $3  }
0xc1: {  	[dreg:$0x1] =	wrdreg $0xFFFFFFFF  }
0xc2: {  	_ =	task.clear_ibuf [dreg:s7], $0x2FFFF;
	_ =	strace $0x9FFFFFFF  }
0xc3: {  	(tm) =	ssettm $0x7FFFFFFF  }
tec
execute0_lowered:
.L_overlay_start_1:
0x0: {  	(tag) =	ssettag $0x1  }
0x1: {  	s6 =	rddreg [dreg:$0x0]  }
0x2: {  	s5 =	rddreg [dreg:$0x1]  }
0x3: {  	s2 =	rddreg [dreg:$0x2]  }
0x4: {  	s0 =	rddreg [dreg:$0x3];
	s3 =	simm.s32 $0x0;
	s1 =	stileid.u32  }
0x5: {  	s4 =	srdreg.scid;
	s14 =	simm.s32 $0x20;
	s15 =	simm.s32 $0x10  }
0x6: {  	s16 =	simm.s32 $0x0;
	[smem:$0x7FF] =	sst s3;
	s7 =	smul.u32 $0x280, s1  }
0x7: {  	s8 =	sand.u32 $0x1, s4;
	s9 =	smul.u32 $0x500, s1;
	s4 =	sadd.s32 $0x1800, s5  }
0x8: {  	s30 =	smul.u32 $0xA00, s1;
	s31 =	sshll.u32 s1, $0x6;
	_ =	strace $0x80000047  }
0x9: {  	s11 =	sshll.u32 s8, $0x7;
	s29 =	ssub.s32 $0x2, s8;
	s8 =	smul.u32 $0xA000, s8  }
0xa: {  	s10 =	sshrl.u32 s7, $0x3;
	s9 =	sor.u32 s11, s9;
	s12 =	sshrl.u32 s29, $0x1  }
0xb: {  	s13 =	sadd.s32 s7, s2;
	s10 =	sadd.s32 s10, s5;
	s9 =	sshrl.u32 s9, $0x3  }
0xc: {  	s11 =	ssub.s32 s29, s12;
	s8 =	sadd.s32 s8, s6;
	s12 =	sshrl.u32 s13, $0x3  }
0xd: {  	s13 =	simm.s32 $0x80;
	s9 =	sadd.s32 s9, s5;
	s5 =	sadd.s32 $0x1200, s10  }
0xe: {  	s7 =	smax.u32 s11, $0x1;
	s8 =	sadd.s32 s30, s8;
	s10 =	simm.s32 $0x1  }
0xf: {  	s11 =	sor.u32 $0x1C01, s31;
	s6 =	sadd.s32 $0x1A00, s9;
	s9 =	simm.s32 $0x100  }
.LBB2_1:
0x10: {  	[tilespmem:s9], [sflag:$0x1] =	stream.linear.gather [hbm4b:s4+s3], $0x80, $0x38;
	[tilespmem:$0x400] =	vst v63  }
0x11: {  	_ =	swait.ge [sflag:s10], $0x80  }
0x12: {  	[sflag:s10] =	ssyncset.done $0x0  }
0x13: {  	[sflag:s10] =	ssyncadd.s32 $0xFFFFFF80  }
0x14: {  	[spmem:s12], [sflag:s11] =	dma.local [hbm:s5], $0x50  }
0x15: {  	_ =	swait.ge [sflag:s10], $0x50  }
0x16: {  	[sflag:s10] =	ssyncset.done $0x0  }
0x17: {  	[sflag:s10] =	ssyncadd.s32 $0xFFFFFFB0  }
0x18: {  	s17 =	sadd.s32 $0x0, s8;
	[bflag:$0x0] =	sbarrier.arrive $0xFFFF  }
0x19: {  	[tilespmem:s3], [sflag:$0x1] =	stream.linear.gather [hbm4b:s17+s3], $0x100, $0x38;
	[tilespmem:$0x400] =	vst v63  }
0x1a: {  	_ =	swait.ge [sflag:s10], $0x100  }
0x1b: {  	[sflag:s10] =	ssyncset.done $0x0  }
0x1c: {  	[sflag:s10] =	ssyncadd.s32 $0xFFFFFF00  }
0x1d: {  	[spmem:s2] =	stream.indirect.scatter.add.f32 [tilespmem:s9], [sflag:$0x1], $0x1, s13, s13, $0xb8;
	[tilespmem:$0x400] =	vst v63  }
0x1e: {  	_ =	swait.ge [sflag:s10], $0x80  }
0x1f: {  	s18 =	simm.s32 $0x40;
	s17 =	simm.s32 $0x20;
	[sflag:s10] =	ssyncset.done $0x0  }
.LBB2_2:
0x20: {  	s19 =	sadd.s32 s17, s8  }
0x21: {  	[sflag:s10] =	ssyncadd.s32 $0xFFFFFF80;
	s17 =	smov.u32 s18;
	s20 =	sadd.s32 $0x20, s18  }
0x22: {  	[tilespmem:s3], [sflag:$0x1] =	stream.linear.gather [hbm4b:s19+s3], $0x100, $0x38;
	[tilespmem:$0x400] =	vst v63  }
0x23: {  	p0 =	sne.s32 s18, $0x9E0;
	_ =	swait.ge [sflag:s10], $0x100  }
.Ltmp0:
0x24: {  	[sflag:s10] =	ssyncset.done $0x0;
	(pc) =	sbr.rel @p0 .LBB2_2-.Ltmp0, $4  }
0x25: {  	[sflag:s10] =	ssyncadd.s32 $0xFFFFFF00  }
0x26: {  	[spmem:s2] =	stream.indirect.scatter.add.f32 [tilespmem:s9], [sflag:$0x1], $0x1, s13, s13, $0xb8;
	[tilespmem:$0x400] =	vst v63  }
0x27: {  	_ =	swait.ge [sflag:s10], $0x80  }
0x28: {  	s18 =	smov.u32 s20;
	[sflag:s10] =	ssyncset.done $0x0  }
0x29: {  	s17 =	sadd.s32 s17, s8;
	[sflag:s10] =	ssyncadd.s32 $0xFFFFFF80  }
0x2a: {  	[tilespmem:s3], [sflag:$0x1] =	stream.linear.gather [hbm4b:s17+s3], $0x100, $0x38;
	[tilespmem:$0x400] =	vst v63  }
0x2b: {  	_ =	swait.ge [sflag:s10], $0x100  }
0x2c: {  	[sflag:s10] =	ssyncset.done $0x0  }
0x2d: {  	[sflag:s10] =	ssyncadd.s32 $0xFFFFFF00  }
0x2e: {  	[spmem:s2] =	stream.indirect.scatter.add.f32 [tilespmem:s9], [sflag:$0x1], $0x1, s13, s13, $0xb8;
	[tilespmem:$0x400] =	vst v63  }
0x2f: {  	_ =	swait.ge [sflag:s10], $0x80  }
0x30: {  	s16 =	sadd.s32 $0x1, s16;
	[sflag:s10] =	ssyncset.done $0x0  }
0x31: {  	p0 =	sne.s32 s16, s7;
	[sflag:s10] =	ssyncadd.s32 $0xFFFFFF80  }
.Ltmp1:
0x32: {  	[bflag:$0x0] =	sbarrier.arrive $0xFFFF;
	(pc) =	sbr.rel @p0 .LBB2_1-.Ltmp1, $4  }
0x33: {  	[hbm:s6@s14], [sflag:s11] =	dma.strided [spmem:s12@s15], $0x50, s10, $0x10   }
0x34: {  	_ =	swait.ge [sflag:s10], $0x50  }
0x35: {  	[sflag:s10] =	ssyncset.done $0x0  }
0x36: {  	[sflag:s10] =	ssyncadd.s32 $0xFFFFFFB0  }
0x37: {  	_ =	sfence.sel $0x180000  }
0x38: {  	[bflag:$0x0] =	sbarrier.arrive $0xFFFF  }
0x39: {  	p0 =	sne.s32 s1, $0x0;
	_ =	strace $0x90000047  }
0x3a: {  	s0 =	sadd.s32 @!p0 $0x100000, s0;
	[bflag:$0x2] =	sbarrier.arrive $0xFFFF  }
0x3b: {  	[sflag:s0] =	ssyncadd.tile.s32 @!p0 $0x1;
	_ =	shalt  }
.Lfunc_end2:
_tile_overlayer_lowered:
.L_overlay_start_2:
0x3c: {  	(tag) =	ssettag $0x2  }
0x3d: {  	s0 =	rddreg [dreg:$0x0];
	s2 =	stileid.u32  }
0x3e: {  	s1 =	rddreg [dreg:$0x1];
	p0 =	sne.s32 s2, $0x0  }
0x3f: {  	s3 =	rddreg [dreg:$0x2];
	[bflag:$0x3] =	sbarrier.arrive $0xFFFF;
	s2 =	simm.s32 @!p0 $0x1C01  }
0x40: {  	[timem:s3], [sflag:s2] =	dma.local @!p0 [hbm:s0], s1  }
0x41: {  	s0 =	simm.s32 @!p0 $0x1  }
0x42: {  	_ =	swait.ge @!p0 [sflag:s0], s1  }
0x43: {  	s1 =	ssub.s32 @!p0 $0x0, s1;
	[sflag:s0] =	ssyncset.done @!p0 $0x0  }
0x44: {  	[sflag:s0] =	ssyncadd.s32 @!p0 s1  }
0x45: {  	[bflag:$0x3] =	sbarrier.arrive $0xFFFF  }
0x46: {  	_ =	shalt  }

// kernel: kernel.9.cloned.1.call-start
scs
__scs_entry_jumppad:
0x0: {  	(pc) =	sbr.rel $0x88, $3  }
0x1: {  	(tag) =	ssettag $0x0;
	lr =	simm.s32 $0x1  }
0x2: {  	[smem:$0x3F9D] =	sst lr;
	_ =	strace $0xD0000000  }
0x3: {  	_ = 	snop  }
0x4: {  	_ = 	snop  }
0x5: {  	_ = 	snop  }
0x6: {  	_ = 	snop  }
0x7: {  	_ = 	snop  }
__scs_overlays_trampoline_lowered:
0x8: {  	[smem:$0x3FAC] =	sst s0  }
0x9: {  	[smem:$0x3FAD] =	sst s1  }
0xa: {  	[smem:$0x3FAE] =	sst s2  }
0xb: {  	[smem:$0x3FAF] =	sst s3  }
0xc: {  	[smem:$0x3FB0] =	sst s4  }
0xd: {  	[smem:$0x3FB1] =	sst s5  }
0xe: {  	[smem:$0x3FB2] =	sst s6  }
0xf: {  	[smem:$0x3FB3] =	sst s7  }
0x10: {  	[smem:$0x3FB4] =	sst s8  }
0x11: {  	[smem:$0x3FB5] =	sst s9;
	s0 =	simm.s32 @!p0 $0x0  }
0x12: {  	s1 =	sld [smem:$0x3F9B];
	s0 =	simm.s32 @p0 $0x1  }
0x13: {  	[smem:$0x3FB6] =	sst s0;
	s0 =	simm.s32 @!p1 $0x0  }
0x14: {  	s2 =	sld [smem:$0x3F9A];
	s0 =	simm.s32 @p1 $0x1  }
0x15: {  	[smem:$0x3FB7] =	sst s0;
	s0 =	simm.s32 @!p2 $0x0  }
0x16: {  	s3 =	sld [smem:$0x3FDB];
	s0 =	simm.s32 @p2 $0x1  }
0x17: {  	s4 =	simm.s32 $0x1BF5;
	[smem:$0x3FB9] =	sst s0  }
0x18: {  	s0 =	sld [smem:$0x3F9C];
	_ =	swait.ge [sflag:s4], $0x0  }
0x19: {  	s7 =	sld [smem:$0x3F9D]  }
0x1a: {  	s8 =	sadd.s32 $0xFFFFE003, lr  }
0x1b: {  	s9 =	sadd.s32 $0xFFFFFEF7, lr;
	s5 =	simm.s32 $0xFFFFFFFF;
	p2 =	slt.u32 s8, $0xFFFFF086  }
0x1c: {  	p1 =	slt.u32 s9, $0xF7A;
	s5 =	simm.s32 @!p2 $0x0  }
0x1d: {  	s5 =	simm.s32 @p1 $0x1;
	p0 =	seq.s32 s7, s2  }
0x1e: {  	s7 =	smul.u32 @!p0 $0xF7A, s2;
	p2 =	seq.s32 @!p0 s5, $0x0  }
0x1f: {  	s9 =	smul.u32 $0xF7A, s1;
	s8 =	simm.s32 @!p0 $0x1BF5;
	p2 =	por !p2, p0  }
0x20: {  	[sflag:s8] =	ssyncset.s32 @!p0 $0xFFFFF086;
	s6 =	sadd.s32 @!p0 s3, s7;
	s7 =	simm.s32 @!p0 $0x108  }
0x21: {  	s3 =	sadd.s32 s3, s9;
	s6 =	sadd.s32 @!p0 $0x88, s6;
	s7 =	simm.s32 @p2 $0x1082  }
0x22: {  	[simem:s7], [sflag:s8] =	dma.local @!p0 [hbm:s6], $0xF7A  }
0x23: {  	s9 =	sor.u32 $0xD0000000, s2;
	s6 =	simm.s32 $0x108;
	_ =	swait.ge @!p0 [sflag:s8], $0x0  }
0x24: {  	s3 =	sadd.s32 $0x88, s3;
	s6 =	simm.s32 @!p1 $0x1082;
	[sflag:s4] =	ssyncset.s32 $0xFFFFF086  }
0x25: {  	[simem:s6], [sflag:s4] =	dma.local [hbm:s3], $0xF7A  }
0x26: {  	[smem:$0x3F9D] =	sst s1;
	(tag) =	ssettag s2;
	_ =	strace s9  }
0x27: {  	s1 =	sld [smem:$0x3FAD]  }
0x28: {  	s2 =	sld [smem:$0x3FAE]  }
0x29: {  	s4 =	sld [smem:$0x3FB0]  }
0x2a: {  	p0 =	seq.s32 s5, $0x0;
	s5 =	sld [smem:$0x3FB1]  }
0x2b: {  	s6 =	sld [smem:$0x3FB2]  }
0x2c: {  	s7 =	sld [smem:$0x3FB3]  }
0x2d: {  	s3 =	simm.s32 $0x108;
	s8 =	sld [smem:$0x3FB4]  }
0x2e: {  	s3 =	simm.s32 @!p0 $0x1082;
	s9 =	sld [smem:$0x3FB5]  }
0x2f: {  	lr =	sadd.s32 s0, s3;
	s0 =	sld [smem:$0x3FAC]  }
0x30: {  	s3 =	sld [smem:$0x3FAF]  }
0x31: {  	[smem:$0x3FB8] =	sst s10  }
0x32: {  	s10 =	sld [smem:$0x3FB6];
	_ =	sdelay $0x3  }
0x33: {  	p0 =	seq.s32 s10, $0x1;
	s10 =	sld [smem:$0x3FB8];
	_ =	sdelay $0x3  }
0x34: {  	[smem:$0x3FB8] =	sst s10  }
0x35: {  	s10 =	sld [smem:$0x3FB7];
	_ =	sdelay $0x3  }
0x36: {  	p1 =	seq.s32 s10, $0x1;
	s10 =	sld [smem:$0x3FB8];
	_ =	sdelay $0x3  }
0x37: {  	[smem:$0x3FB8] =	sst s10  }
0x38: {  	s10 =	sld [smem:$0x3FB9]  }
0x39: {  	_ = 	snop;
	(pc) =	sbr.ind lr, $3  }
0x3a: {  	_ = 	snop  }
0x3b: {  	_ = 	snop  }
0x3c: {  	p2 =	seq.s32 s10, $0x1;
	s10 =	sld [smem:$0x3FB8]  }
0x3d: {  	_ =	shalt  }
0x3e: {  	_ =	shalt  }
0x3f: {  	_ =	shalt  }
0x40: {  	_ =	shalt  }
0x41: {  	_ =	shalt  }
0x42: {  	_ =	shalt  }
0x43: {  	_ =	shalt  }
0x44: {  	_ =	shalt  }
0x45: {  	_ =	shalt  }
0x46: {  	_ =	shalt  }
0x47: {  	_ =	shalt  }
0x48: {  	_ =	shalt  }
0x49: {  	_ =	shalt  }
0x4a: {  	_ =	shalt  }
0x4b: {  	_ =	shalt  }
0x4c: {  	_ =	shalt  }
0x4d: {  	_ =	shalt  }
0x4e: {  	_ =	shalt  }
0x4f: {  	_ =	shalt  }
0x50: {  	_ =	shalt  }
0x51: {  	_ =	shalt  }
0x52: {  	_ =	shalt  }
0x53: {  	_ =	shalt  }
0x54: {  	_ =	shalt  }
0x55: {  	_ =	shalt  }
0x56: {  	_ =	shalt  }
0x57: {  	_ =	shalt  }
0x58: {  	_ =	shalt  }
0x59: {  	_ =	shalt  }
0x5a: {  	_ =	shalt  }
0x5b: {  	_ =	shalt  }
0x5c: {  	_ =	shalt  }
0x5d: {  	_ =	shalt  }
0x5e: {  	_ =	shalt  }
0x5f: {  	_ =	shalt  }
0x60: {  	_ =	shalt  }
0x61: {  	_ =	shalt  }
0x62: {  	_ =	shalt  }
0x63: {  	_ =	shalt  }
0x64: {  	_ =	shalt  }
0x65: {  	_ =	shalt  }
0x66: {  	_ =	shalt  }
0x67: {  	_ =	shalt  }
0x68: {  	_ =	shalt  }
0x69: {  	_ =	shalt  }
0x6a: {  	_ =	shalt  }
0x6b: {  	_ =	shalt  }
0x6c: {  	_ =	shalt  }
0x6d: {  	_ =	shalt  }
0x6e: {  	_ =	shalt  }
0x6f: {  	_ =	shalt  }
0x70: {  	_ =	shalt  }
0x71: {  	_ =	shalt  }
0x72: {  	_ =	shalt  }
0x73: {  	_ =	shalt  }
0x74: {  	_ =	shalt  }
0x75: {  	_ =	shalt  }
0x76: {  	_ =	shalt  }
0x77: {  	_ =	shalt  }
0x78: {  	_ =	shalt  }
0x79: {  	_ =	shalt  }
0x7a: {  	_ =	shalt  }
0x7b: {  	_ =	shalt  }
0x7c: {  	_ =	shalt  }
0x7d: {  	_ =	shalt  }
0x7e: {  	_ =	shalt  }
0x7f: {  	_ =	shalt  }
0x80: {  	_ =	shalt  }
0x81: {  	_ =	shalt  }
0x82: {  	_ =	shalt  }
0x83: {  	_ =	shalt  }
0x84: {  	_ =	shalt  }
0x85: {  	_ =	shalt  }
0x86: {  	_ =	shalt  }
0x87: {  	_ =	shalt  }
.Lfunc_end0:
.L_simem_size_0:
called_computation.1_lowered:
.L_overlay_start_0:
0x88: {  	s2 =	sld [smem:$0x3FD9]  }
0x89: {  	s3 =	sld [smem:$0x3FFE];
	_ =	sdelay $0x1  }
0x8a: {  	s1 =	srdreg.scid  }
0x8b: {  	s0 =	sand.u32 $0x1, s1  }
0x8c: {  	s17 =	sshll.u32 s0, $0xA;
	s2 =	sadd.s32 s3, s2  }
0x8d: {  	s2 =	sadd.s32 s2, s17  }
0x8e: {  	[smem:$0x3FC4] =	sst s2  }
0x8f: {  	_ = 	snop  }
0x90: {  	s2 =	sld [smem:$0x3FD0];
	(tm) =	ssettm $0x1  }
0x91: {  	s18 =	sld [smem:$0x3FFB];
	_ =	sdelay $0x3  }
0x92: {  	_ =	strace s18  }
0x93: {  	s3 =	sld [smem:$0x3FFC];
	_ =	sdelay $0x3  }
0x94: {  	_ =	strace s3  }
0x95: {  	s3 =	sld [smem:$0x3FFD];
	_ =	sdelay $0x3  }
0x96: {  	_ =	strace s3  }
0x97: {  	_ =	strace $0x8FFFFFFF  }
0x98: {  	s19 =	sld [smem:$0x3FDB];
	_ =	sdelay $0x1  }
0x99: {  	s4 =	simm.s32 $_scs_section_size  }
0x9a: {  	s5 =	simm.s32 $_size__tile_overlayer_lowered;
	s6 =	simm.s32 $_tile_overlayer_lowered  }
0x9b: {  	s22 =	simm.s32 $0x1BFF;
	s21 =	sshll.u32 s6, $0x1;
	s3 =	sadd.s32 s4, s19  }
0x9c: {  	s7 =	simm.s32 $0x0;
	s20 =	sshll.u32 s5, $0x1;
	s5 =	sadd.s32 s21, s3  }
0x9d: {  	[timem:s7], [sflag:s22] =	dma.local [hbm:s5], s20  }
0x9e: {  	_ =	swait.ge [sflag:s22], s20  }
0x9f: {  	s4 =	ssub.s32 $0x0, s20;
	[sflag:s22] =	ssyncset.done $0x0  }
0xa0: {  	[sflag:s22] =	ssyncadd.s32 s4;
	_ =	sdelay $0x1  }
0xa1: {  	s23 =	simm.s32 $0x1B8B  }
0xa2: {  	_ =	swait.ge [sflag:s23], $0x1  }
0xa3: {  	[sflag:s23] =	ssyncset.done $0x0  }
0xa4: {  	s25 =	simm.s32 $0x1B8E;
	s24 =	sld [smem:$0x3FFE];
	[sflag:s23] =	ssyncadd.s32 $0xFFFFFFFF  }
0xa5: {  	s26 =	simm.s32 $execute0_lowered;
	[smem:$0x3FD2] =	sst s25  }
0xa6: {  	s5 =	sshll.u32 s26, $0x1;
	_ =	strace $0x80000049;
	[dreg:$0x1] =	wrdreg $0xFFFFFFFF  }
0xa7: {  	s28 =	simm.s32 $_size_execute0_lowered;
	s3 =	sadd.s32 s3, s5;
	[dreg:$0x0] =	wrdreg $0x0  }
0xa8: {  	s5 =	sshll.u32 s28, $0x1;
	[dreg:$0x2] =	wrdreg s3  }
0xa9: {  	[dreg:$0x3] =	wrdreg s5  }
0xaa: {  	[dreg:$0x4] =	wrdreg $0xC0  }
0xab: {  	_ =	task [dreg:s7], $0x5FFFF  }
0xac: {  	[dreg:$0x1] =	wrdreg $0xFFFFFFFF  }
0xad: {  	[dreg:$0x0] =	wrdreg $0x60  }
0xae: {  	[dreg:$0x2] =	wrdreg s2  }
0xaf: {  	[dreg:$0x3] =	wrdreg s24  }
0xb0: {  	[dreg:$0x4] =	wrdreg $0x82000  }
0xb1: {  	[dreg:$0x5] =	wrdreg $0x9  }
0xb2: {  	_ =	task.clear_ibuf [dreg:s7], $0x6FFFF;
	_ =	strace $0x90000049  }
0xb3: {  	s29 =	simm.s32 $0x9;
	_ =	strace $0x8000004B  }
0xb4: {  	_ =	swait.ge [sflag:s29], $0x1  }
0xb5: {  	[sflag:s29] =	ssyncadd.s32 $0xFFFFFFFF  }
0xb6: {  	_ =	strace $0x9000004B  }
0xb7: {  	_ =	sfence  }
0xb8: {  	s30 =	sld [smem:$0x0];
	_ =	sdelay $0x2  }
0xb9: {  	s31 =	sshll.u32 s1, $0xD;
	s1 =	sshrl.u32 s1, $0x2  }
0xba: {  	s3 =	sand.u32 $0x4000, s31;
	s1 =	sadd.s32 s1, s30  }
0xbb: {  	s0 =	sor.u32 s3, s0;
	s1 =	sshll.u32 s1, $0x11  }
0xbc: {  	s0 =	sor.u32 s1, s0  }
0xbd: {  	s0 =	sadd.s32 $0x8F2B, s0  }
0xbe: {  	[sflag:s0] =	ssyncadd.remote.s32 $0x1  }
0xbf: {  	_ =	sfence.sel $0xFFFF  }
0xc0: {  	[dreg:$0x0] =	wrdreg $0xFFFFFFFF;
	(pc) =	sbr.abs _section_cstart, $3  }
0xc1: {  	[dreg:$0x1] =	wrdreg $0xFFFFFFFF  }
0xc2: {  	_ =	task.clear_ibuf [dreg:s7], $0x2FFFF;
	_ =	strace $0x9FFFFFFF  }
0xc3: {  	(tm) =	ssettm $0x7FFFFFFF  }
tec
execute0_lowered:
.L_overlay_start_1:
0x0: {  	(tag) =	ssettag $0x1  }
0x1: {  	s11 =	rddreg [dreg:$0x0]  }
0x2: {  	s5 =	rddreg [dreg:$0x1]  }
0x3: {  	s2 =	rddreg [dreg:$0x2]  }
0x4: {  	s0 =	rddreg [dreg:$0x3]  }
0x5: {  	s1 =	stileid.u32;
	s4 =	srdreg.scid;
	s3 =	simm.s32 $0x0  }
0x6: {  	s16 =	simm.s32 $0x200;
	s17 =	simm.s32 $0x100;
	s6 =	smul.u32 $0x14000, s1  }
0x7: {  	s18 =	simm.s32 $0x4200;
	s19 =	simm.s32 $0x1;
	s10 =	smul.u32 $0x50000, s1  }
0x8: {  	s20 =	simm.s32 $0x2;
	s8 =	sand.u32 $0x1, s4;
	s28 =	smul.u32 $0x50, s1  }
0x9: {  	[smem:$0x7FF] =	sst s3;
	s4 =	sadd.s32 $0x1200, s5;
	s30 =	smul.u32 $0xA00, s1  }
0xa: {  	s26 =	sshll.u32 s1, $0x6;
	s7 =	smul.u32 $0x140000, s8;
	_ =	strace $0x8000004A  }
0xb: {  	s21 =	sshll.u32 s8, $0x4;
	s22 =	ssub.s32 $0x2, s8;
	s25 =	smul.u32 $0x500, s8  }
0xc: {  	s29 =	smul.u32 $0xA000, s8;
	s9 =	sshrl.u32 s6, $0x3;
	s23 =	sor.u32 s1, s21  }
0xd: {  	s24 =	sshrl.u32 s22, $0x1;
	s10 =	sshrl.u32 s10, $0x2;
	s21 =	simm.s32 $0x180  }
0xe: {  	s9 =	sadd.s32 s9, s5;
	s6 =	sadd.s32 s6, s7;
	s13 =	smul.u32 $0xA00, s23  }
0xf: {  	s14 =	ssub.s32 s22, s24;
	s15 =	sadd.s32 s10, s2;
	s10 =	sadd.s32 s28, s25  }
0x10: {  	s22 =	simm.s32 $0x0;
	s6 =	sshrl.u32 s6, $0x3;
	s31 =	sshll.u32 s10, $0x5  }
0x11: {  	s12 =	sadd.s32 s6, s5;
	s5 =	sadd.s32 $0x29200, s9;
	s6 =	sor.u32 $0x1C03, s26  }
0x12: {  	s7 =	sadd.s32 s11, s13;
	s9 =	smax.u32 s14, $0x1;
	s13 =	sadd.s32 s29, s11  }
0x13: {  	s11 =	sadd.s32 s31, s11;
	s14 =	simm.s32 $0x3;
	s8 =	sadd.s32 $0x51200, s12  }
0x14: {  	s10 =	sadd.s32 $0x9E0, s7;
	s12 =	sadd.s32 s30, s13;
	s11 =	sadd.s32 $0x40, s11  }
0x15: {  	s13 =	sshrl.u32 s15, $0x3;
	s15 =	simm.s32 $0x80;
	s12 =	sadd.s32 $0x20, s12  }
.LBB2_1:
0x16: {  	[spmem:s13], [sflag:s6] =	dma.local [hbm:s5], $0x2800  }
0x17: {  	_ =	swait.ge [sflag:s14], $0x2800  }
0x18: {  	[sflag:s14] =	ssyncset.done $0x0  }
0x19: {  	[sflag:s14] =	ssyncadd.s32 $0xFFFFD800  }
0x1a: {  	[bflag:$0x0] =	sbarrier.arrive $0xFFFF  }
0x1b: {  	[tilespmem:s3], [sflag:$0x3] =	stream.linear.gather [hbm4b:s7+s3], $0x100, $0x38;
	[tilespmem:$0x1C200] =	vst v63  }
0x1c: {  	_ =	swait.ge [sflag:s14], $0x100  }
0x1d: {  	[sflag:s14] =	ssyncset.done $0x0  }
0x1e: {  	[sflag:s14] =	ssyncadd.s32 $0xFFFFFF00  }
0x1f: {  	[tilespmem:s16], [sflag:$0x1] =	stream.indirect.gather [hbm4b:s4+s15], $0x80, s3, s15, $0xb8;
	[tilespmem:$0x1C200] =	vst v63  }
0x20: {  	s23 =	sadd.s32 $0x0, s12  }
0x21: {  	[tilespmem:s17], [sflag:$0x3] =	stream.linear.gather [hbm4b:s23+s3], $0x100, $0x38;
	[tilespmem:$0x1C200] =	vst v63  }
0x22: {  	_ =	swait.ge [sflag:s14], $0x100  }
0x23: {  	[sflag:s14] =	ssyncset.done $0x0  }
0x24: {  	[sflag:s14] =	ssyncadd.s32 $0xFFFFFF00  }
0x25: {  	[tilespmem:s18], [sflag:$0x2] =	stream.indirect.gather [hbm4b:s4+s15], $0x80, s17, s15, $0xb8;
	[tilespmem:$0x1C200] =	vst v63  }
0x26: {  	_ =	swait.ge [sflag:s19], $0x4000  }
0x27: {  	[sflag:s19] =	ssyncset.done $0x0  }
0x28: {  	[sflag:s19] =	ssyncadd.s32 $0xFFFFC000  }
0x29: {  	[spmem:s2] =	stream.indirect.scatter.add.f32 [tilespmem:s16], [sflag:$0x3], $0x80, s15, s15, $0xb8;
	[tilespmem:$0x1C200] =	vst v63  }
0x2a: {  	_ =	swait.ge [sflag:s14], $0x4000  }
0x2b: {  	[sflag:s14] =	ssyncset.done $0x0  }
0x2c: {  	s31 =	sadd.s32 $0x0, s11;
	[sflag:s14] =	ssyncadd.s32 $0xFFFFC000  }
0x2d: {  	[tilespmem:s3], [sflag:$0x3] =	stream.linear.gather [hbm4b:s31+s3], $0x100, $0x38;
	[tilespmem:$0x1C200] =	vst v63  }
0x2e: {  	_ =	swait.ge [sflag:s14], $0x100  }
0x2f: {  	[sflag:s14] =	ssyncset.done $0x0  }
0x30: {  	[sflag:s14] =	ssyncadd.s32 $0xFFFFFF00  }
0x31: {  	[tilespmem:s16], [sflag:$0x1] =	stream.indirect.gather [hbm4b:s4+s15], $0x80, s3, s15, $0xb8;
	[tilespmem:$0x1C200] =	vst v63  }
0x32: {  	_ =	swait.ge [sflag:s20], $0x4000  }
0x33: {  	[sflag:s20] =	ssyncset.done $0x0  }
0x34: {  	[sflag:s20] =	ssyncadd.s32 $0xFFFFC000  }
0x35: {  	[spmem:s2] =	stream.indirect.scatter.add.f32 [tilespmem:s18], [sflag:$0x3], $0x80, s21, s15, $0xb8;
	[tilespmem:$0x1C200] =	vst v63  }
0x36: {  	_ =	swait.ge [sflag:s14], $0x4000  }
0x37: {  	s24 =	simm.s32 $0x80;
	s23 =	simm.s32 $0x40;
	[sflag:s14] =	ssyncset.done $0x0  }
.LBB2_2:
0x38: {  	s25 =	sadd.s32 s23, s12  }
0x39: {  	[sflag:s14] =	ssyncadd.s32 $0xFFFFC000;
	s26 =	smov.u32 s24;
	s28 =	sadd.s32 $0x40, s24  }
0x3a: {  	[tilespmem:s17], [sflag:$0x3] =	stream.linear.gather [hbm4b:s25+s3], $0x100, $0x38;
	[tilespmem:$0x1C200] =	vst v63  }
0x3b: {  	p0 =	sne.s32 s24, $0x980;
	_ =	swait.ge [sflag:s14], $0x100  }
0x3c: {  	[sflag:s14] =	ssyncset.done $0x0  }
0x3d: {  	[sflag:s14] =	ssyncadd.s32 $0xFFFFFF00  }
0x3e: {  	[tilespmem:s18], [sflag:$0x2] =	stream.indirect.gather [hbm4b:s4+s15], $0x80, s17, s15, $0xb8;
	[tilespmem:$0x1C200] =	vst v63  }
0x3f: {  	_ =	swait.ge [sflag:s19], $0x4000  }
0x40: {  	[sflag:s19] =	ssyncset.done $0x0  }
0x41: {  	[sflag:s19] =	ssyncadd.s32 $0xFFFFC000  }
0x42: {  	[spmem:s2] =	stream.indirect.scatter.add.f32 [tilespmem:s16], [sflag:$0x3], $0x80, s15, s15, $0xb8;
	[tilespmem:$0x1C200] =	vst v63  }
0x43: {  	_ =	swait.ge [sflag:s14], $0x4000  }
0x44: {  	[sflag:s14] =	ssyncset.done $0x0  }
0x45: {  	s24 =	sadd.s32 s23, s11;
	s23 =	smov.u32 s26;
	[sflag:s14] =	ssyncadd.s32 $0xFFFFC000  }
0x46: {  	[tilespmem:s3], [sflag:$0x3] =	stream.linear.gather [hbm4b:s24+s3], $0x100, $0x38;
	[tilespmem:$0x1C200] =	vst v63  }
0x47: {  	_ =	swait.ge [sflag:s14], $0x100  }
0x48: {  	[sflag:s14] =	ssyncset.done $0x0  }
0x49: {  	[sflag:s14] =	ssyncadd.s32 $0xFFFFFF00  }
0x4a: {  	[tilespmem:s16], [sflag:$0x1] =	stream.indirect.gather [hbm4b:s4+s15], $0x80, s3, s15, $0xb8;
	[tilespmem:$0x1C200] =	vst v63  }
0x4b: {  	_ =	swait.ge [sflag:s20], $0x4000  }
.Ltmp0:
0x4c: {  	[sflag:s20] =	ssyncset.done $0x0;
	(pc) =	sbr.rel @p0 .LBB2_2-.Ltmp0, $4  }
0x4d: {  	[sflag:s20] =	ssyncadd.s32 $0xFFFFC000  }
0x4e: {  	[spmem:s2] =	stream.indirect.scatter.add.f32 [tilespmem:s18], [sflag:$0x3], $0x80, s21, s15, $0xb8;
	[tilespmem:$0x1C200] =	vst v63  }
0x4f: {  	_ =	swait.ge [sflag:s14], $0x4000  }
0x50: {  	s24 =	smov.u32 s28;
	[sflag:s14] =	ssyncset.done $0x0  }
0x51: {  	s24 =	sadd.s32 s23, s12;
	[sflag:s14] =	ssyncadd.s32 $0xFFFFC000  }
0x52: {  	[tilespmem:s17], [sflag:$0x3] =	stream.linear.gather [hbm4b:s24+s3], $0x100, $0x38;
	[tilespmem:$0x1C200] =	vst v63  }
0x53: {  	_ =	swait.ge [sflag:s14], $0x100  }
0x54: {  	[sflag:s14] =	ssyncset.done $0x0  }
0x55: {  	[sflag:s14] =	ssyncadd.s32 $0xFFFFFF00  }
0x56: {  	[tilespmem:s18], [sflag:$0x2] =	stream.indirect.gather [hbm4b:s4+s15], $0x80, s17, s15, $0xb8;
	[tilespmem:$0x1C200] =	vst v63  }
0x57: {  	_ =	swait.ge [sflag:s19], $0x4000  }
0x58: {  	[sflag:s19] =	ssyncset.done $0x0  }
0x59: {  	[sflag:s19] =	ssyncadd.s32 $0xFFFFC000  }
0x5a: {  	[spmem:s2] =	stream.indirect.scatter.add.f32 [tilespmem:s16], [sflag:$0x3], $0x80, s15, s15, $0xb8;
	[tilespmem:$0x1C200] =	vst v63  }
0x5b: {  	_ =	swait.ge [sflag:s14], $0x4000  }
0x5c: {  	[sflag:s14] =	ssyncset.done $0x0  }
0x5d: {  	s31 =	sadd.s32 s23, s11;
	[sflag:s14] =	ssyncadd.s32 $0xFFFFC000  }
0x5e: {  	[tilespmem:s3], [sflag:$0x3] =	stream.linear.gather [hbm4b:s31+s3], $0x100, $0x38;
	[tilespmem:$0x1C200] =	vst v63  }
0x5f: {  	_ =	swait.ge [sflag:s14], $0x100  }
0x60: {  	[sflag:s14] =	ssyncset.done $0x0  }
0x61: {  	[sflag:s14] =	ssyncadd.s32 $0xFFFFFF00  }
0x62: {  	[tilespmem:s16], [sflag:$0x1] =	stream.indirect.gather [hbm4b:s4+s15], $0x80, s3, s15, $0xb8;
	[tilespmem:$0x1C200] =	vst v63  }
0x63: {  	_ =	swait.ge [sflag:s20], $0x4000  }
0x64: {  	[sflag:s20] =	ssyncset.done $0x0  }
0x65: {  	[sflag:s20] =	ssyncadd.s32 $0xFFFFC000  }
0x66: {  	[spmem:s2] =	stream.indirect.scatter.add.f32 [tilespmem:s18], [sflag:$0x3], $0x80, s21, s15, $0xb8;
	[tilespmem:$0x1C200] =	vst v63  }
0x67: {  	_ =	swait.ge [sflag:s14], $0x4000  }
0x68: {  	[sflag:s14] =	ssyncset.done $0x0  }
0x69: {  	[sflag:s14] =	ssyncadd.s32 $0xFFFFC000  }
0x6a: {  	[tilespmem:s17], [sflag:$0x3] =	stream.linear.gather [hbm4b:s10+s3], $0x100, $0x38;
	[tilespmem:$0x1C200] =	vst v63  }
0x6b: {  	_ =	swait.ge [sflag:s14], $0x100  }
0x6c: {  	[sflag:s14] =	ssyncset.done $0x0  }
0x6d: {  	[sflag:s14] =	ssyncadd.s32 $0xFFFFFF00  }
0x6e: {  	[tilespmem:s18], [sflag:$0x2] =	stream.indirect.gather [hbm4b:s4+s15], $0x80, s17, s15, $0xb8;
	[tilespmem:$0x1C200] =	vst v63  }
0x6f: {  	_ =	swait.ge [sflag:s19], $0x4000  }
0x70: {  	[sflag:s19] =	ssyncset.done $0x0  }
0x71: {  	[sflag:s19] =	ssyncadd.s32 $0xFFFFC000  }
0x72: {  	[spmem:s2] =	stream.indirect.scatter.add.f32 [tilespmem:s16], [sflag:$0x3], $0x80, s15, s15, $0xb8;
	[tilespmem:$0x1C200] =	vst v63  }
0x73: {  	_ =	swait.ge [sflag:s14], $0x4000  }
0x74: {  	[sflag:s14] =	ssyncset.done $0x0  }
0x75: {  	[sflag:s14] =	ssyncadd.s32 $0xFFFFC000  }
0x76: {  	[tilespmem:s3], [sflag:$0x3] =	stream.linear.gather [hbm4b:s7+s3], $0x100, $0x38;
	[tilespmem:$0x1C200] =	vst v63  }
0x77: {  	_ =	swait.ge [sflag:s14], $0x100  }
0x78: {  	[sflag:s14] =	ssyncset.done $0x0  }
0x79: {  	[sflag:s14] =	ssyncadd.s32 $0xFFFFFF00  }
0x7a: {  	[tilespmem:s16], [sflag:$0x1] =	stream.indirect.gather [hbm4b:s4+s15], $0x80, s3, s15, $0xb8;
	[tilespmem:$0x1C200] =	vst v63  }
0x7b: {  	_ =	swait.ge [sflag:s20], $0x4000  }
0x7c: {  	[sflag:s20] =	ssyncset.done $0x0  }
0x7d: {  	[sflag:s20] =	ssyncadd.s32 $0xFFFFC000  }
0x7e: {  	[spmem:s2] =	stream.indirect.scatter.add.f32 [tilespmem:s18], [sflag:$0x3], $0x80, s21, s15, $0xb8;
	[tilespmem:$0x1C200] =	vst v63  }
0x7f: {  	_ =	swait.ge [sflag:s14], $0x4000  }
0x80: {  	[sflag:s14] =	ssyncset.done $0x0  }
0x81: {  	[sflag:s14] =	ssyncadd.s32 $0xFFFFC000  }
0x82: {  	_ =	swait.ge [sflag:s19], $0x4000  }
0x83: {  	s22 =	sadd.s32 $0x1, s22;
	[sflag:s19] =	ssyncset.done $0x0  }
0x84: {  	p0 =	sne.s32 s22, s9;
	[sflag:s19] =	ssyncadd.s32 $0xFFFFC000  }
.Ltmp1:
0x85: {  	[bflag:$0x0] =	sbarrier.arrive $0xFFFF;
	(pc) =	sbr.rel @p0 .LBB2_1-.Ltmp1, $4  }
0x86: {  	[hbm:s8], [sflag:s6] =	dma.local [spmem:s13], $0x2800  }
0x87: {  	_ =	swait.ge [sflag:s14], $0x2800  }
0x88: {  	[sflag:s14] =	ssyncset.done $0x0  }
0x89: {  	[sflag:s14] =	ssyncadd.s32 $0xFFFFD800  }
0x8a: {  	_ =	sfence.sel $0x180000  }
0x8b: {  	[bflag:$0x0] =	sbarrier.arrive $0xFFFF  }
0x8c: {  	p0 =	sne.s32 s1, $0x0;
	_ =	strace $0x9000004A  }
0x8d: {  	s0 =	sadd.s32 @!p0 $0x100000, s0;
	[bflag:$0x2] =	sbarrier.arrive $0xFFFF  }
0x8e: {  	[sflag:s0] =	ssyncadd.tile.s32 @!p0 $0x1;
	_ =	shalt  }
.Lfunc_end2:
_tile_overlayer_lowered:
.L_overlay_start_2:
0x8f: {  	(tag) =	ssettag $0x2  }
0x90: {  	s0 =	rddreg [dreg:$0x0];
	s2 =	stileid.u32  }
0x91: {  	s1 =	rddreg [dreg:$0x1];
	p0 =	sne.s32 s2, $0x0  }
0x92: {  	s3 =	rddreg [dreg:$0x2];
	[bflag:$0x3] =	sbarrier.arrive $0xFFFF;
	s2 =	simm.s32 @!p0 $0x1C03  }
0x93: {  	[timem:s3], [sflag:s2] =	dma.local @!p0 [hbm:s0], s1  }
0x94: {  	s0 =	simm.s32 @!p0 $0x3  }
0x95: {  	_ =	swait.ge @!p0 [sflag:s0], s1  }
0x96: {  	s1 =	ssub.s32 @!p0 $0x0, s1;
	[sflag:s0] =	ssyncset.done @!p0 $0x0  }
0x97: {  	[sflag:s0] =	ssyncadd.s32 @!p0 s1  }
0x98: {  	[bflag:$0x3] =	sbarrier.arrive $0xFFFF  }
0x99: {  	_ =	shalt  }

</sc_bundles>
